<compile_context>
chip_gen: v7x
topology: tpu7x:2x2x1
jax: 0.10.2.dev20260603
libtpu: 0.0.44.dev20260713+nightly
codegen_flags: <defaults>
</compile_context>

<pallas_src>
import functools

import jax
import jax.numpy as jnp
from jax import lax
from jax.experimental import pallas as pl
from jax.experimental.pallas import tpu as pltpu
from jax.experimental.pallas import tpu_sc as plsc

N = 10000
E = 320000
D = 128
H = 128

NC = 2
NS = 16
DH = D // NC

NP = 10240
K = 128
EP = 327680
CW = EP // (NS * K)
SB = 80
G = 2
RPT = NP // NS
CL = 16

_mesh = plsc.VectorSubcoreMesh(
    core_axis_name="c", subcore_axis_name="s", num_cores=NC, num_subcores=NS
)


@functools.partial(
    pl.kernel,
    out_type=[
        jax.ShapeDtypeStruct((NC, NP, DH), jnp.float32),
        jax.ShapeDtypeStruct((NC, NP, CL), jnp.float32),
    ],
    mesh=_mesh,
    compiler_params=pltpu.CompilerParams(use_tc_tiling_on_sc=False),
    scratch_types=[
        pltpu.VMEM((SB, K), jnp.int32),
        pltpu.VMEM((SB, K), jnp.int32),
        pltpu.VMEM((G, K, DH), jnp.float32),
        pltpu.VMEM((K, CL), jnp.float32),
        pltpu.VMEM_SHARED((NP, DH), jnp.float32),
        pltpu.VMEM_SHARED((NP, DH), jnp.float32),
        pltpu.VMEM_SHARED((NP, CL), jnp.float32),
        pltpu.SemaphoreType.DMA((G,)),
        pltpu.SemaphoreType.DMA((G,)),
        pltpu.SemaphoreType.DMA,
    ],
)
def _sc_aggregate(x_hbm, src_hbm, dst_hbm, zeros_hbm, zeros16_hbm, ones16_hbm,
                  summed_hbm, cnt_hbm,
                  src_v, dst_v, rows_v, ones_v, xc, acc, cacc, gsem, ssem, csem):
    c = lax.axis_index("c")
    s = lax.axis_index("s")

    pltpu.sync_copy(x_hbm.at[pl.ds(s * (N // NS), N // NS), pl.ds(c * DH, DH)],
                    xc.at[pl.ds(s * (N // NS), N // NS)])
    pltpu.sync_copy(zeros_hbm, acc.at[pl.ds(s * RPT, RPT)])
    pltpu.sync_copy(zeros16_hbm, cacc.at[pl.ds(s * RPT, RPT)])
    pltpu.sync_copy(ones16_hbm, ones_v)

    plsc.subcore_barrier()

    def _stage_body(t, _):
        base = s * CW + t * SB
        pltpu.sync_copy(src_hbm.at[pl.ds(base, SB)], src_v)
        pltpu.sync_copy(dst_hbm.at[pl.ds(base, SB)], dst_v)

        def _group_body(q, _):
            gds = []
            for b in range(G):
                i = G * q + b

                @pl.when(q > 0)
                def _():
                    pltpu.make_async_copy(rows_v.at[b], acc.at[dst_v.at[i]],
                                          ssem.at[b]).wait()
                gds.append(pltpu.async_copy(xc.at[src_v.at[i]], rows_v.at[b],
                                            gsem.at[b]))
            for b in range(G):
                i = G * q + b
                gds[b].wait()
                pltpu.async_copy(rows_v.at[b], acc.at[dst_v.at[i]],
                                 ssem.at[b], add=True)

                @pl.when(c == b)
                def _():
                    pltpu.async_copy(ones_v, cacc.at[dst_v.at[i]],
                                     csem, add=True)
            return ()
        lax.fori_loop(0, SB // G, _group_body, ())

        for b in range(G):
            pltpu.make_async_copy(rows_v.at[b], acc.at[dst_v.at[b]],
                                  ssem.at[b]).wait()

        def _cnt_drain(i, _):
            pltpu.make_async_copy(ones_v, cacc.at[dst_v.at[0]], csem).wait()
            return ()
        lax.fori_loop(0, SB // G, _cnt_drain, ())
        return ()
    lax.fori_loop(0, CW // SB, _stage_body, ())

    plsc.subcore_barrier()

    pltpu.sync_copy(acc.at[pl.ds(s * RPT, RPT)],
                    summed_hbm.at[c, pl.ds(s * RPT, RPT)])
    pltpu.sync_copy(cacc.at[pl.ds(s * RPT, RPT)],
                    cnt_hbm.at[c, pl.ds(s * RPT, RPT)])


_BLK = 200


def _tc_body(sum_ref, cnt_ref, x_ref, wl_ref, bl_ref, wr_ref, out_ref):
    ssum = jnp.concatenate([sum_ref[0], sum_ref[1]], axis=1)
    cnt = cnt_ref[0, :, 0] + cnt_ref[1, :, 0]
    agg = ssum / jnp.maximum(cnt, 1.0)[:, None]
    dn = (((1,), (1,)), ((), ()))
    out = (
        lax.dot_general(agg, wl_ref[...], dn, preferred_element_type=jnp.float32)
        + bl_ref[...]
        + lax.dot_general(x_ref[...], wr_ref[...], dn,
                          preferred_element_type=jnp.float32)
    )
    norm = jnp.sqrt(jnp.sum(out * out, axis=1, keepdims=True))
    out = out / jnp.maximum(norm, 1e-12)
    out_ref[...] = jnp.maximum(out, 0.0)


_tc_combine = pl.pallas_call(
    _tc_body,
    out_shape=jax.ShapeDtypeStruct((N, H), jnp.float32),
    grid=(N // _BLK,),
    in_specs=[
        pl.BlockSpec((NC, _BLK, DH), lambda i: (0, i, 0)),
        pl.BlockSpec((NC, _BLK, CL), lambda i: (0, i, 0)),
        pl.BlockSpec((_BLK, D), lambda i: (i, 0)),
        pl.BlockSpec((H, D), lambda i: (0, 0)),
        pl.BlockSpec((1, H), lambda i: (0, 0)),
        pl.BlockSpec((H, D), lambda i: (0, 0)),
    ],
    out_specs=pl.BlockSpec((_BLK, H), lambda i: (i, 0)),
)


def kernel(x, edge_index, W_l, b_l, W_r):
    src = edge_index[0]
    dst = edge_index[1]
    pad = EP - E
    src_p = jnp.concatenate([src, jnp.zeros((pad,), jnp.int32)])
    dst_p = jnp.concatenate([dst, jnp.full((pad,), NP - 1, jnp.int32)])
    srcK = src_p.reshape(EP // K, K)
    dstK = dst_p.reshape(EP // K, K)
    zeros = jnp.zeros((RPT, DH), jnp.float32)
    zeros16 = jnp.zeros((RPT, CL), jnp.float32)
    ones16 = jnp.ones((K, CL), jnp.float32)

    summed, cnt = _sc_aggregate(x, srcK, dstK, zeros, zeros16, ones16)
    return _tc_combine(summed, cnt, x, W_l, b_l.reshape(1, H), W_r)

# --- scband reference (transcript-rebuilt; emitter-appended) ---
"""Pipeline reference for scband-sage-43593918054565 (READ-ONLY COPY).

The authoritative reference and input builder live on the scoring server;
editing this copy changes nothing except your own understanding.
"""

import jax, jax.numpy as jnp
import numpy as np

N = 10000
E = 320000
D = 128
H = 128


def setup_inputs(seed: int = 0) -> dict:
    key = jax.random.key(seed)
    k1, k2, k3, k4, k5 = jax.random.split(key, 5)
    x = jax.random.normal(k1, (N, D), dtype=jnp.float32)
    edge_index = jax.random.randint(k2, (2, E), 0, N, dtype=jnp.int32)
    # SAGEConv params: lin_l (neighbor transform, with bias), lin_r (root transform, no bias)
    W_l = jax.random.normal(k3, (H, D), dtype=jnp.float32) * (1.0 / np.sqrt(D))
    b_l = jnp.zeros((H,), dtype=jnp.float32)
    W_r = jax.random.normal(k4, (H, D), dtype=jnp.float32) * (1.0 / np.sqrt(D))
    return {"x": x, "edge_index": edge_index, "W_l": W_l, "b_l": b_l, "W_r": W_r}


def reference(x, edge_index, W_l, b_l, W_r):
    # SAGEConv with aggr='mean', normalize=True (PyG semantics):
    # message from src -> dst, mean-aggregated per dst node
    src = edge_index[0]
    dst = edge_index[1]
    msgs = jnp.take(x, src, axis=0)                                   # gather  [E, D]
    summed = jax.ops.segment_sum(msgs, dst, num_segments=N)           # scatter-add [N, D]
    cnt = jax.ops.segment_sum(jnp.ones((E,), dtype=x.dtype), dst, num_segments=N)
    agg = summed / jnp.clip(cnt, 1.0)[:, None]                        # mean aggregation
    out = agg @ W_l.T + b_l + x @ W_r.T                               # lin_l(agg) + lin_r(x)
    # normalize=True -> L2-normalize per node
    norm = jnp.linalg.norm(out, axis=-1, keepdims=True)
    out = out / jnp.clip(norm, 1e-12)
    # F.relu; dropout p=0.0 / eval mode -> identity
    out = jax.nn.relu(out)
    return out

if __name__ == "__main__":
    import jax
    _d = setup_inputs()
    print(jax.jit(kernel)(*tuple(_d.values())))

</pallas_src>

<mosaic_0001>
#map = affine_map<(d0, d1) -> (0, 0)>
#map1 = affine_map<(d0, d1) -> (0, 0, 0)>
module attributes {stable_mosaic.version = 14 : i64} {
  func.func @_sc_aggregate(%arg0: i32, %arg1: i32, %arg2: memref<10000x128xf32, #tpu.memory_space<hbm>>, %arg3: memref<2560x128xi32, #tpu.memory_space<hbm>>, %arg4: memref<2560x128xi32, #tpu.memory_space<hbm>>, %arg5: memref<640x64xf32, #tpu.memory_space<hbm>>, %arg6: memref<640x16xf32, #tpu.memory_space<hbm>>, %arg7: memref<128x16xf32, #tpu.memory_space<hbm>>, %arg8: memref<2x10240x64xf32, #tpu.memory_space<hbm>>, %arg9: memref<2x10240x16xf32, #tpu.memory_space<hbm>>, %arg10: memref<80x128xi32, #tpu.memory_space<vmem>>, %arg11: memref<80x128xi32, #tpu.memory_space<vmem>>, %arg12: memref<2x128x64xf32, #tpu.memory_space<vmem>>, %arg13: memref<128x16xf32, #tpu.memory_space<vmem>>, %arg14: memref<10240x64xf32, #tpu.memory_space<vmem_shared>>, %arg15: memref<10240x64xf32, #tpu.memory_space<vmem_shared>>, %arg16: memref<10240x16xf32, #tpu.memory_space<vmem_shared>>, %arg17: memref<2x!tpu.dma_semaphore, #tpu.memory_space<semaphore_mem>>, %arg18: memref<2x!tpu.dma_semaphore, #tpu.memory_space<semaphore_mem>>, %arg19: memref<!tpu.dma_semaphore, #tpu.memory_space<semaphore_mem>>) attributes {dimension_semantics = [#tpu.dimension_semantics<core_parallel>, #tpu.dimension_semantics<subcore_parallel>], iteration_bounds = array<i64: 2, 16>, scalar_prefetch = 0 : i64, scratch_operands = 10 : i64, tpu.core_type = #tpu.core_type<sc_vector_subcore>, window_params = [{transform_indices = #map}, {transform_indices = #map}, {transform_indices = #map}, {transform_indices = #map}, {transform_indices = #map}, {transform_indices = #map}, {transform_indices = #map1}, {transform_indices = #map1}]} {
    %mul3A = arith.constant 625 : i32
    %mul3A_0 = arith.muli %arg1, %mul3A : i32
    %mul3A_1 = arith.constant 64 : i32
    %mul3A_2 = arith.muli %arg0, %mul3A_1 : i32
    %mul3A_3 = arith.constant 625 : i32
    %mul3A_4 = arith.muli %arg1, %mul3A_3 : i32
    "tpu.region"() ({
      %run_scoped3A = tpu.sem_alloc : memref<!tpu.dma_semaphore, #tpu.memory_space<semaphore_mem>>
      %dma_start3A = arith.constant 0 : i32
      %dma_start3A_22 = tpu.memref_slice %arg14[%mul3A_4, %dma_start3A] : memref<10240x64xf32, #tpu.memory_space<vmem_shared>> -> memref<625x64xf32, #tpu.memory_space<vmem_shared>>
      %dma_start3A_23 = tpu.memref_slice %arg2[%mul3A_0, %mul3A_2] : memref<10000x128xf32, #tpu.memory_space<hbm>> -> memref<625x64xf32, #tpu.memory_space<hbm>>
      tpu.enqueue_dma source(%dma_start3A_23 : memref<625x64xf32, #tpu.memory_space<hbm>>) target(%dma_start3A_22 : memref<625x64xf32, #tpu.memory_space<vmem_shared>>) target_semaphore(%run_scoped3A : memref<!tpu.dma_semaphore, #tpu.memory_space<semaphore_mem>>)
      %dma_wait3A = arith.constant 0 : i32
      %dma_wait3A_24 = tpu.memref_slice %arg14[%mul3A_4, %dma_wait3A] : memref<10240x64xf32, #tpu.memory_space<vmem_shared>> -> memref<625x64xf32, #tpu.memory_space<vmem_shared>>
      %dma_wait3A_25 = tpu.memref_slice %arg2[%mul3A_0, %mul3A_2] : memref<10000x128xf32, #tpu.memory_space<hbm>> -> memref<625x64xf32, #tpu.memory_space<hbm>>
      tpu.wait_dma2 semaphore(%run_scoped3A : memref<!tpu.dma_semaphore, #tpu.memory_space<semaphore_mem>>) src(%dma_wait3A_25 : memref<625x64xf32, #tpu.memory_space<hbm>>) dst(%dma_wait3A_24 : memref<625x64xf32, #tpu.memory_space<vmem_shared>>)
      tpu.yield
    }) : () -> ()
    %mul3A_5 = arith.constant 640 : i32
    %mul3A_6 = arith.muli %arg1, %mul3A_5 : i32
    "tpu.region"() ({
      %run_scoped3A = tpu.sem_alloc : memref<!tpu.dma_semaphore, #tpu.memory_space<semaphore_mem>>
      %dma_start3A = arith.constant 0 : i32
      %dma_start3A_22 = tpu.memref_slice %arg15[%mul3A_6, %dma_start3A] : memref<10240x64xf32, #tpu.memory_space<vmem_shared>> -> memref<640x64xf32, #tpu.memory_space<vmem_shared>>
      tpu.enqueue_dma source(%arg5 : memref<640x64xf32, #tpu.memory_space<hbm>>) target(%dma_start3A_22 : memref<640x64xf32, #tpu.memory_space<vmem_shared>>) target_semaphore(%run_scoped3A : memref<!tpu.dma_semaphore, #tpu.memory_space<semaphore_mem>>)
      %dma_wait3A = arith.constant 0 : i32
      %dma_wait3A_23 = tpu.memref_slice %arg15[%mul3A_6, %dma_wait3A] : memref<10240x64xf32, #tpu.memory_space<vmem_shared>> -> memref<640x64xf32, #tpu.memory_space<vmem_shared>>
      tpu.wait_dma2 semaphore(%run_scoped3A : memref<!tpu.dma_semaphore, #tpu.memory_space<semaphore_mem>>) src(%arg5 : memref<640x64xf32, #tpu.memory_space<hbm>>) dst(%dma_wait3A_23 : memref<640x64xf32, #tpu.memory_space<vmem_shared>>)
      tpu.yield
    }) : () -> ()
    %mul3A_7 = arith.constant 640 : i32
    %mul3A_8 = arith.muli %arg1, %mul3A_7 : i32
    "tpu.region"() ({
      %run_scoped3A = tpu.sem_alloc : memref<!tpu.dma_semaphore, #tpu.memory_space<semaphore_mem>>
      %dma_start3A = arith.constant 0 : i32
      %dma_start3A_22 = tpu.memref_slice %arg16[%mul3A_8, %dma_start3A] : memref<10240x16xf32, #tpu.memory_space<vmem_shared>> -> memref<640x16xf32, #tpu.memory_space<vmem_shared>>
      tpu.enqueue_dma source(%arg6 : memref<640x16xf32, #tpu.memory_space<hbm>>) target(%dma_start3A_22 : memref<640x16xf32, #tpu.memory_space<vmem_shared>>) target_semaphore(%run_scoped3A : memref<!tpu.dma_semaphore, #tpu.memory_space<semaphore_mem>>)
      %dma_wait3A = arith.constant 0 : i32
      %dma_wait3A_23 = tpu.memref_slice %arg16[%mul3A_8, %dma_wait3A] : memref<10240x16xf32, #tpu.memory_space<vmem_shared>> -> memref<640x16xf32, #tpu.memory_space<vmem_shared>>
      tpu.wait_dma2 semaphore(%run_scoped3A : memref<!tpu.dma_semaphore, #tpu.memory_space<semaphore_mem>>) src(%arg6 : memref<640x16xf32, #tpu.memory_space<hbm>>) dst(%dma_wait3A_23 : memref<640x16xf32, #tpu.memory_space<vmem_shared>>)
      tpu.yield
    }) : () -> ()
    "tpu.region"() ({
      %run_scoped3A = tpu.sem_alloc : memref<!tpu.dma_semaphore, #tpu.memory_space<semaphore_mem>>
      tpu.enqueue_dma source(%arg7 : memref<128x16xf32, #tpu.memory_space<hbm>>) target(%arg13 : memref<128x16xf32, #tpu.memory_space<vmem>>) target_semaphore(%run_scoped3A : memref<!tpu.dma_semaphore, #tpu.memory_space<semaphore_mem>>)
      tpu.wait_dma2 semaphore(%run_scoped3A : memref<!tpu.dma_semaphore, #tpu.memory_space<semaphore_mem>>) src(%arg7 : memref<128x16xf32, #tpu.memory_space<hbm>>) dst(%arg13 : memref<128x16xf32, #tpu.memory_space<vmem>>)
      tpu.yield
    }) : () -> ()
    %barrier3A = arith.constant 0 : index
    tpu.barrier barrier_id(%barrier3A)
    %scan3A = arith.constant 0 : i32
    %scan3A_9 = arith.constant 2 : i32
    %scan3A_10 = arith.addi %scan3A, %scan3A_9 : i32
    %scan3A_11 = arith.constant 1 : i32
    scf.for %scan3A_22 = %scan3A to %scan3A_10 step %scan3A_11  : i32 {
      %mul3A_23 = arith.constant 160 : i32
      %mul3A_24 = arith.muli %arg1, %mul3A_23 : i32
      %mul3A_25 = arith.constant 80 : i32
      %mul3A_26 = arith.muli %scan3A_22, %mul3A_25 : i32
      %add3A = arith.addi %mul3A_24, %mul3A_26 : i32
      "tpu.region"() ({
        %run_scoped3A = tpu.sem_alloc : memref<!tpu.dma_semaphore, #tpu.memory_space<semaphore_mem>>
        %dma_start3A = arith.constant 0 : i32
        %dma_start3A_66 = tpu.memref_slice %arg3[%add3A, %dma_start3A] : memref<2560x128xi32, #tpu.memory_space<hbm>> -> memref<80x128xi32, #tpu.memory_space<hbm>>
        %dma_start3A_67 = arith.constant 0 : i32
        %dma_start3A_68 = tpu.memref_slice %arg3[%add3A, %dma_start3A_67] : memref<2560x128xi32, #tpu.memory_space<hbm>> -> memref<80x128xi32, #tpu.memory_space<hbm>>
        tpu.enqueue_dma source(%dma_start3A_68 : memref<80x128xi32, #tpu.memory_space<hbm>>) target(%arg10 : memref<80x128xi32, #tpu.memory_space<vmem>>) target_semaphore(%run_scoped3A : memref<!tpu.dma_semaphore, #tpu.memory_space<semaphore_mem>>)
        %dma_wait3A_69 = arith.constant 0 : i32
        %dma_wait3A_70 = tpu.memref_slice %arg3[%add3A, %dma_wait3A_69] : memref<2560x128xi32, #tpu.memory_space<hbm>> -> memref<80x128xi32, #tpu.memory_space<hbm>>
        %dma_wait3A_71 = arith.constant 0 : i32
        %dma_wait3A_72 = tpu.memref_slice %arg3[%add3A, %dma_wait3A_71] : memref<2560x128xi32, #tpu.memory_space<hbm>> -> memref<80x128xi32, #tpu.memory_space<hbm>>
        tpu.wait_dma2 semaphore(%run_scoped3A : memref<!tpu.dma_semaphore, #tpu.memory_space<semaphore_mem>>) src(%dma_wait3A_72 : memref<80x128xi32, #tpu.memory_space<hbm>>) dst(%arg10 : memref<80x128xi32, #tpu.memory_space<vmem>>)
        tpu.yield
      }) : () -> ()
      "tpu.region"() ({
        %run_scoped3A = tpu.sem_alloc : memref<!tpu.dma_semaphore, #tpu.memory_space<semaphore_mem>>
        %dma_start3A = arith.constant 0 : i32
        %dma_start3A_66 = tpu.memref_slice %arg4[%add3A, %dma_start3A] : memref<2560x128xi32, #tpu.memory_space<hbm>> -> memref<80x128xi32, #tpu.memory_space<hbm>>
        %dma_start3A_67 = arith.constant 0 : i32
        %dma_start3A_68 = tpu.memref_slice %arg4[%add3A, %dma_start3A_67] : memref<2560x128xi32, #tpu.memory_space<hbm>> -> memref<80x128xi32, #tpu.memory_space<hbm>>
        tpu.enqueue_dma source(%dma_start3A_68 : memref<80x128xi32, #tpu.memory_space<hbm>>) target(%arg11 : memref<80x128xi32, #tpu.memory_space<vmem>>) target_semaphore(%run_scoped3A : memref<!tpu.dma_semaphore, #tpu.memory_space<semaphore_mem>>)
        %dma_wait3A_69 = arith.constant 0 : i32
        %dma_wait3A_70 = tpu.memref_slice %arg4[%add3A, %dma_wait3A_69] : memref<2560x128xi32, #tpu.memory_space<hbm>> -> memref<80x128xi32, #tpu.memory_space<hbm>>
        %dma_wait3A_71 = arith.constant 0 : i32
        %dma_wait3A_72 = tpu.memref_slice %arg4[%add3A, %dma_wait3A_71] : memref<2560x128xi32, #tpu.memory_space<hbm>> -> memref<80x128xi32, #tpu.memory_space<hbm>>
        tpu.wait_dma2 semaphore(%run_scoped3A : memref<!tpu.dma_semaphore, #tpu.memory_space<semaphore_mem>>) src(%dma_wait3A_72 : memref<80x128xi32, #tpu.memory_space<hbm>>) dst(%arg11 : memref<80x128xi32, #tpu.memory_space<vmem>>)
        tpu.yield
      }) : () -> ()
      %scan3A_27 = arith.constant 0 : i32
      %scan3A_28 = arith.constant 40 : i32
      %scan3A_29 = arith.addi %scan3A_27, %scan3A_28 : i32
      %scan3A_30 = arith.constant 1 : i32
      scf.for %scan3A_66 = %scan3A_27 to %scan3A_29 step %scan3A_30  : i32 {
        %mul3A_67 = arith.constant 2 : i32
        %mul3A_68 = arith.muli %mul3A_67, %scan3A_66 : i32
        %add3A_69 = arith.constant 0 : i32
        %add3A_70 = arith.addi %mul3A_68, %add3A_69 : i32
        %gt3A = arith.constant 0 : i32
        %gt3A_71 = arith.cmpi sgt, %scan3A_66, %gt3A : i32
        %convert_element_type3A = arith.extui %gt3A_71 : i1 to i32
        %cond3A = arith.constant 0 : i32
        %cond3A_72 = arith.cmpi ne, %convert_element_type3A, %cond3A : i32
        scf.if %cond3A_72 {
          %dma_wait3A_182 = arith.constant 0 : i32
          %dma_wait3A_183 = arith.constant 0 : i32
          %dma_wait3A_184 = arith.constant 0 : i32
          %dma_wait3A_185 = arith.constant 0 : i32
          %dma_wait3A_186 = tpu.memref_slice %arg12[%dma_wait3A_182, %dma_wait3A_184, %dma_wait3A_185] : memref<2x128x64xf32, #tpu.memory_space<vmem>> -> memref<1x128x64xf32, #tpu.memory_space<vmem>>
          %dma_wait3A_187 = tpu.memref_squeeze %dma_wait3A_186 : memref<1x128x64xf32, #tpu.memory_space<vmem>> -> memref<128x64xf32, #tpu.memory_space<vmem>>
          %dma_wait3A_188 = arith.constant 0 : i32
          %dma_wait3A_189 = tpu.memref_slice %arg11[%add3A_70, %dma_wait3A_188] : memref<80x128xi32, #tpu.memory_space<vmem>> -> memref<1x128xi32, #tpu.memory_space<vmem>>
          %dma_wait3A_190 = tpu.memref_squeeze %dma_wait3A_189 : memref<1x128xi32, #tpu.memory_space<vmem>> -> memref<128xi32, #tpu.memory_space<vmem>>
          %dma_wait3A_191 = arith.constant 0 : i32
          %dma_wait3A_192 = arith.constant 0 : i32
          %dma_wait3A_193 = tpu.memref_slice %arg15[%dma_wait3A_191, %dma_wait3A_192] : memref<10240x64xf32, #tpu.memory_space<vmem_shared>> -> memref<10240x64xf32, #tpu.memory_space<vmem_shared>>
          %dma_wait3A_194 = tpu.memref_slice %arg18[%dma_wait3A_183] : memref<2x!tpu.dma_semaphore, #tpu.memory_space<semaphore_mem>> -> memref<1x!tpu.dma_semaphore, #tpu.memory_space<semaphore_mem>>
          %dma_wait3A_195 = tpu.memref_squeeze %dma_wait3A_194 : memref<1x!tpu.dma_semaphore, #tpu.memory_space<semaphore_mem>> -> memref<!tpu.dma_semaphore, #tpu.memory_space<semaphore_mem>>
          tpu.wait_indirect_dma semaphore(%dma_wait3A_195 : memref<!tpu.dma_semaphore, #tpu.memory_space<semaphore_mem>>) src(%dma_wait3A_187 : memref<128x64xf32, #tpu.memory_space<vmem>>) dst(%dma_wait3A_193 : memref<10240x64xf32, #tpu.memory_space<vmem_shared>>)
        } else {
        }
        %dma_start3A = arith.constant 0 : i32
        %dma_start3A_73 = arith.constant 0 : i32
        %dma_start3A_74 = arith.constant 0 : i32
        %dma_start3A_75 = arith.constant 0 : i32
        %dma_start3A_76 = tpu.memref_slice %arg12[%dma_start3A, %dma_start3A_74, %dma_start3A_75] : memref<2x128x64xf32, #tpu.memory_space<vmem>> -> memref<1x128x64xf32, #tpu.memory_space<vmem>>
        %dma_start3A_77 = tpu.memref_squeeze %dma_start3A_76 : memref<1x128x64xf32, #tpu.memory_space<vmem>> -> memref<128x64xf32, #tpu.memory_space<vmem>>
        %dma_start3A_78 = arith.constant 0 : i32
        %dma_start3A_79 = tpu.memref_slice %arg10[%add3A_70, %dma_start3A_78] : memref<80x128xi32, #tpu.memory_space<vmem>> -> memref<1x128xi32, #tpu.memory_space<vmem>>
        %dma_start3A_80 = tpu.memref_squeeze %dma_start3A_79 : memref<1x128xi32, #tpu.memory_space<vmem>> -> memref<128xi32, #tpu.memory_space<vmem>>
        %dma_start3A_81 = arith.constant 0 : i32
        %dma_start3A_82 = arith.constant 0 : i32
        %dma_start3A_83 = tpu.memref_slice %arg14[%dma_start3A_81, %dma_start3A_82] : memref<10240x64xf32, #tpu.memory_space<vmem_shared>> -> memref<10240x64xf32, #tpu.memory_space<vmem_shared>>
        %dma_start3A_84 = tpu.memref_slice %arg17[%dma_start3A_73] : memref<2x!tpu.dma_semaphore, #tpu.memory_space<semaphore_mem>> -> memref<1x!tpu.dma_semaphore, #tpu.memory_space<semaphore_mem>>
        %dma_start3A_85 = tpu.memref_squeeze %dma_start3A_84 : memref<1x!tpu.dma_semaphore, #tpu.memory_space<semaphore_mem>> -> memref<!tpu.dma_semaphore, #tpu.memory_space<semaphore_mem>>
        tpu.enqueue_indirect_dma source(%dma_start3A_83 : memref<10240x64xf32, #tpu.memory_space<vmem_shared>>) target(%dma_start3A_77 : memref<128x64xf32, #tpu.memory_space<vmem>>) offsets(%dma_start3A_80 : memref<128xi32, #tpu.memory_space<vmem>>) semaphore(%dma_start3A_85 : memref<!tpu.dma_semaphore, #tpu.memory_space<semaphore_mem>>)
        %mul3A_86 = arith.constant 2 : i32
        %mul3A_87 = arith.muli %mul3A_86, %scan3A_66 : i32
        %add3A_88 = arith.constant 1 : i32
        %add3A_89 = arith.addi %mul3A_87, %add3A_88 : i32
        %gt3A_90 = arith.constant 0 : i32
        %gt3A_91 = arith.cmpi sgt, %scan3A_66, %gt3A_90 : i32
        %convert_element_type3A_92 = arith.extui %gt3A_91 : i1 to i32
        %cond3A_93 = arith.constant 0 : i32
        %cond3A_94 = arith.cmpi ne, %convert_element_type3A_92, %cond3A_93 : i32
        scf.if %cond3A_94 {
          %dma_wait3A_182 = arith.constant 1 : i32
          %dma_wait3A_183 = arith.constant 1 : i32
          %dma_wait3A_184 = arith.constant 0 : i32
          %dma_wait3A_185 = arith.constant 0 : i32
          %dma_wait3A_186 = tpu.memref_slice %arg12[%dma_wait3A_182, %dma_wait3A_184, %dma_wait3A_185] : memref<2x128x64xf32, #tpu.memory_space<vmem>> -> memref<1x128x64xf32, #tpu.memory_space<vmem>>
          %dma_wait3A_187 = tpu.memref_squeeze %dma_wait3A_186 : memref<1x128x64xf32, #tpu.memory_space<vmem>> -> memref<128x64xf32, #tpu.memory_space<vmem>>
          %dma_wait3A_188 = arith.constant 0 : i32
          %dma_wait3A_189 = tpu.memref_slice %arg11[%add3A_89, %dma_wait3A_188] : memref<80x128xi32, #tpu.memory_space<vmem>> -> memref<1x128xi32, #tpu.memory_space<vmem>>
          %dma_wait3A_190 = tpu.memref_squeeze %dma_wait3A_189 : memref<1x128xi32, #tpu.memory_space<vmem>> -> memref<128xi32, #tpu.memory_space<vmem>>
          %dma_wait3A_191 = arith.constant 0 : i32
          %dma_wait3A_192 = arith.constant 0 : i32
          %dma_wait3A_193 = tpu.memref_slice %arg15[%dma_wait3A_191, %dma_wait3A_192] : memref<10240x64xf32, #tpu.memory_space<vmem_shared>> -> memref<10240x64xf32, #tpu.memory_space<vmem_shared>>
          %dma_wait3A_194 = tpu.memref_slice %arg18[%dma_wait3A_183] : memref<2x!tpu.dma_semaphore, #tpu.memory_space<semaphore_mem>> -> memref<1x!tpu.dma_semaphore, #tpu.memory_space<semaphore_mem>>
          %dma_wait3A_195 = tpu.memref_squeeze %dma_wait3A_194 : memref<1x!tpu.dma_semaphore, #tpu.memory_space<semaphore_mem>> -> memref<!tpu.dma_semaphore, #tpu.memory_space<semaphore_mem>>
          tpu.wait_indirect_dma semaphore(%dma_wait3A_195 : memref<!tpu.dma_semaphore, #tpu.memory_space<semaphore_mem>>) src(%dma_wait3A_187 : memref<128x64xf32, #tpu.memory_space<vmem>>) dst(%dma_wait3A_193 : memref<10240x64xf32, #tpu.memory_space<vmem_shared>>)
        } else {
        }
        %dma_start3A_95 = arith.constant 1 : i32
        %dma_start3A_96 = arith.constant 1 : i32
        %dma_start3A_97 = arith.constant 0 : i32
        %dma_start3A_98 = arith.constant 0 : i32
        %dma_start3A_99 = tpu.memref_slice %arg12[%dma_start3A_95, %dma_start3A_97, %dma_start3A_98] : memref<2x128x64xf32, #tpu.memory_space<vmem>> -> memref<1x128x64xf32, #tpu.memory_space<vmem>>
        %dma_start3A_100 = tpu.memref_squeeze %dma_start3A_99 : memref<1x128x64xf32, #tpu.memory_space<vmem>> -> memref<128x64xf32, #tpu.memory_space<vmem>>
        %dma_start3A_101 = arith.constant 0 : i32
        %dma_start3A_102 = tpu.memref_slice %arg10[%add3A_89, %dma_start3A_101] : memref<80x128xi32, #tpu.memory_space<vmem>> -> memref<1x128xi32, #tpu.memory_space<vmem>>
        %dma_start3A_103 = tpu.memref_squeeze %dma_start3A_102 : memref<1x128xi32, #tpu.memory_space<vmem>> -> memref<128xi32, #tpu.memory_space<vmem>>
        %dma_start3A_104 = arith.constant 0 : i32
        %dma_start3A_105 = arith.constant 0 : i32
        %dma_start3A_106 = tpu.memref_slice %arg14[%dma_start3A_104, %dma_start3A_105] : memref<10240x64xf32, #tpu.memory_space<vmem_shared>> -> memref<10240x64xf32, #tpu.memory_space<vmem_shared>>
        %dma_start3A_107 = tpu.memref_slice %arg17[%dma_start3A_96] : memref<2x!tpu.dma_semaphore, #tpu.memory_space<semaphore_mem>> -> memref<1x!tpu.dma_semaphore, #tpu.memory_space<semaphore_mem>>
        %dma_start3A_108 = tpu.memref_squeeze %dma_start3A_107 : memref<1x!tpu.dma_semaphore, #tpu.memory_space<semaphore_mem>> -> memref<!tpu.dma_semaphore, #tpu.memory_space<semaphore_mem>>
        tpu.enqueue_indirect_dma source(%dma_start3A_106 : memref<10240x64xf32, #tpu.memory_space<vmem_shared>>) target(%dma_start3A_100 : memref<128x64xf32, #tpu.memory_space<vmem>>) offsets(%dma_start3A_103 : memref<128xi32, #tpu.memory_space<vmem>>) semaphore(%dma_start3A_108 : memref<!tpu.dma_semaphore, #tpu.memory_space<semaphore_mem>>)
        %mul3A_109 = arith.constant 2 : i32
        %mul3A_110 = arith.muli %mul3A_109, %scan3A_66 : i32
        %add3A_111 = arith.constant 0 : i32
        %add3A_112 = arith.addi %mul3A_110, %add3A_111 : i32
        %dma_wait3A_113 = arith.constant 0 : i32
        %dma_wait3A_114 = arith.constant 0 : i32
        %dma_wait3A_115 = arith.constant 0 : i32
        %dma_wait3A_116 = arith.constant 0 : i32
        %dma_wait3A_117 = tpu.memref_slice %arg12[%dma_wait3A_113, %dma_wait3A_115, %dma_wait3A_116] : memref<2x128x64xf32, #tpu.memory_space<vmem>> -> memref<1x128x64xf32, #tpu.memory_space<vmem>>
        %dma_wait3A_118 = tpu.memref_squeeze %dma_wait3A_117 : memref<1x128x64xf32, #tpu.memory_space<vmem>> -> memref<128x64xf32, #tpu.memory_space<vmem>>
        %dma_wait3A_119 = arith.constant 0 : i32
        %dma_wait3A_120 = tpu.memref_slice %arg10[%add3A_70, %dma_wait3A_119] : memref<80x128xi32, #tpu.memory_space<vmem>> -> memref<1x128xi32, #tpu.memory_space<vmem>>
        %dma_wait3A_121 = tpu.memref_squeeze %dma_wait3A_120 : memref<1x128xi32, #tpu.memory_space<vmem>> -> memref<128xi32, #tpu.memory_space<vmem>>
        %dma_wait3A_122 = arith.constant 0 : i32
        %dma_wait3A_123 = arith.constant 0 : i32
        %dma_wait3A_124 = tpu.memref_slice %arg14[%dma_wait3A_122, %dma_wait3A_123] : memref<10240x64xf32, #tpu.memory_space<vmem_shared>> -> memref<10240x64xf32, #tpu.memory_space<vmem_shared>>
        %dma_wait3A_125 = tpu.memref_slice %arg17[%dma_wait3A_114] : memref<2x!tpu.dma_semaphore, #tpu.memory_space<semaphore_mem>> -> memref<1x!tpu.dma_semaphore, #tpu.memory_space<semaphore_mem>>
        %dma_wait3A_126 = tpu.memref_squeeze %dma_wait3A_125 : memref<1x!tpu.dma_semaphore, #tpu.memory_space<semaphore_mem>> -> memref<!tpu.dma_semaphore, #tpu.memory_space<semaphore_mem>>
        tpu.wait_indirect_dma semaphore(%dma_wait3A_126 : memref<!tpu.dma_semaphore, #tpu.memory_space<semaphore_mem>>) src(%dma_wait3A_124 : memref<10240x64xf32, #tpu.memory_space<vmem_shared>>) dst(%dma_wait3A_118 : memref<128x64xf32, #tpu.memory_space<vmem>>)
        %dma_start3A_127 = arith.constant 0 : i32
        %dma_start3A_128 = arith.constant 0 : i32
        %dma_start3A_129 = arith.constant 0 : i32
        %dma_start3A_130 = arith.constant 0 : i32
        %dma_start3A_131 = tpu.memref_slice %arg12[%dma_start3A_127, %dma_start3A_129, %dma_start3A_130] : memref<2x128x64xf32, #tpu.memory_space<vmem>> -> memref<1x128x64xf32, #tpu.memory_space<vmem>>
        %dma_start3A_132 = tpu.memref_squeeze %dma_start3A_131 : memref<1x128x64xf32, #tpu.memory_space<vmem>> -> memref<128x64xf32, #tpu.memory_space<vmem>>
        %dma_start3A_133 = arith.constant 0 : i32
        %dma_start3A_134 = tpu.memref_slice %arg11[%add3A_112, %dma_start3A_133] : memref<80x128xi32, #tpu.memory_space<vmem>> -> memref<1x128xi32, #tpu.memory_space<vmem>>
        %dma_start3A_135 = tpu.memref_squeeze %dma_start3A_134 : memref<1x128xi32, #tpu.memory_space<vmem>> -> memref<128xi32, #tpu.memory_space<vmem>>
        %dma_start3A_136 = arith.constant 0 : i32
        %dma_start3A_137 = arith.constant 0 : i32
        %dma_start3A_138 = tpu.memref_slice %arg15[%dma_start3A_136, %dma_start3A_137] : memref<10240x64xf32, #tpu.memory_space<vmem_shared>> -> memref<10240x64xf32, #tpu.memory_space<vmem_shared>>
        %dma_start3A_139 = tpu.memref_slice %arg18[%dma_start3A_128] : memref<2x!tpu.dma_semaphore, #tpu.memory_space<semaphore_mem>> -> memref<1x!tpu.dma_semaphore, #tpu.memory_space<semaphore_mem>>
        %dma_start3A_140 = tpu.memref_squeeze %dma_start3A_139 : memref<1x!tpu.dma_semaphore, #tpu.memory_space<semaphore_mem>> -> memref<!tpu.dma_semaphore, #tpu.memory_space<semaphore_mem>>
        tpu.enqueue_indirect_dma source(%dma_start3A_132 : memref<128x64xf32, #tpu.memory_space<vmem>>) target(%dma_start3A_138 : memref<10240x64xf32, #tpu.memory_space<vmem_shared>>) offsets(%dma_start3A_135 : memref<128xi32, #tpu.memory_space<vmem>>) semaphore(%dma_start3A_140 : memref<!tpu.dma_semaphore, #tpu.memory_space<semaphore_mem>>) {add = true}
        %eq3A = arith.constant 0 : i32
        %eq3A_141 = arith.cmpi eq, %arg0, %eq3A : i32
        %convert_element_type3A_142 = arith.extui %eq3A_141 : i1 to i32
        %cond3A_143 = arith.constant 0 : i32
        %cond3A_144 = arith.cmpi ne, %convert_element_type3A_142, %cond3A_143 : i32
        scf.if %cond3A_144 {
          %dma_start3A_182 = arith.constant 0 : i32
          %dma_start3A_183 = tpu.memref_slice %arg11[%add3A_112, %dma_start3A_182] : memref<80x128xi32, #tpu.memory_space<vmem>> -> memref<1x128xi32, #tpu.memory_space<vmem>>
          %dma_start3A_184 = tpu.memref_squeeze %dma_start3A_183 : memref<1x128xi32, #tpu.memory_space<vmem>> -> memref<128xi32, #tpu.memory_space<vmem>>
          %dma_start3A_185 = arith.constant 0 : i32
          %dma_start3A_186 = arith.constant 0 : i32
          %dma_start3A_187 = tpu.memref_slice %arg16[%dma_start3A_185, %dma_start3A_186] : memref<10240x16xf32, #tpu.memory_space<vmem_shared>> -> memref<10240x16xf32, #tpu.memory_space<vmem_shared>>
          tpu.enqueue_indirect_dma source(%arg13 : memref<128x16xf32, #tpu.memory_space<vmem>>) target(%dma_start3A_187 : memref<10240x16xf32, #tpu.memory_space<vmem_shared>>) offsets(%dma_start3A_184 : memref<128xi32, #tpu.memory_space<vmem>>) semaphore(%arg19 : memref<!tpu.dma_semaphore, #tpu.memory_space<semaphore_mem>>) {add = true}
        } else {
        }
        %mul3A_145 = arith.constant 2 : i32
        %mul3A_146 = arith.muli %mul3A_145, %scan3A_66 : i32
        %add3A_147 = arith.constant 1 : i32
        %add3A_148 = arith.addi %mul3A_146, %add3A_147 : i32
        %dma_wait3A_149 = arith.constant 1 : i32
        %dma_wait3A_150 = arith.constant 1 : i32
        %dma_wait3A_151 = arith.constant 0 : i32
        %dma_wait3A_152 = arith.constant 0 : i32
        %dma_wait3A_153 = tpu.memref_slice %arg12[%dma_wait3A_149, %dma_wait3A_151, %dma_wait3A_152] : memref<2x128x64xf32, #tpu.memory_space<vmem>> -> memref<1x128x64xf32, #tpu.memory_space<vmem>>
        %dma_wait3A_154 = tpu.memref_squeeze %dma_wait3A_153 : memref<1x128x64xf32, #tpu.memory_space<vmem>> -> memref<128x64xf32, #tpu.memory_space<vmem>>
        %dma_wait3A_155 = arith.constant 0 : i32
        %dma_wait3A_156 = tpu.memref_slice %arg10[%add3A_89, %dma_wait3A_155] : memref<80x128xi32, #tpu.memory_space<vmem>> -> memref<1x128xi32, #tpu.memory_space<vmem>>
        %dma_wait3A_157 = tpu.memref_squeeze %dma_wait3A_156 : memref<1x128xi32, #tpu.memory_space<vmem>> -> memref<128xi32, #tpu.memory_space<vmem>>
        %dma_wait3A_158 = arith.constant 0 : i32
        %dma_wait3A_159 = arith.constant 0 : i32
        %dma_wait3A_160 = tpu.memref_slice %arg14[%dma_wait3A_158, %dma_wait3A_159] : memref<10240x64xf32, #tpu.memory_space<vmem_shared>> -> memref<10240x64xf32, #tpu.memory_space<vmem_shared>>
        %dma_wait3A_161 = tpu.memref_slice %arg17[%dma_wait3A_150] : memref<2x!tpu.dma_semaphore, #tpu.memory_space<semaphore_mem>> -> memref<1x!tpu.dma_semaphore, #tpu.memory_space<semaphore_mem>>
        %dma_wait3A_162 = tpu.memref_squeeze %dma_wait3A_161 : memref<1x!tpu.dma_semaphore, #tpu.memory_space<semaphore_mem>> -> memref<!tpu.dma_semaphore, #tpu.memory_space<semaphore_mem>>
        tpu.wait_indirect_dma semaphore(%dma_wait3A_162 : memref<!tpu.dma_semaphore, #tpu.memory_space<semaphore_mem>>) src(%dma_wait3A_160 : memref<10240x64xf32, #tpu.memory_space<vmem_shared>>) dst(%dma_wait3A_154 : memref<128x64xf32, #tpu.memory_space<vmem>>)
        %dma_start3A_163 = arith.constant 1 : i32
        %dma_start3A_164 = arith.constant 1 : i32
        %dma_start3A_165 = arith.constant 0 : i32
        %dma_start3A_166 = arith.constant 0 : i32
        %dma_start3A_167 = tpu.memref_slice %arg12[%dma_start3A_163, %dma_start3A_165, %dma_start3A_166] : memref<2x128x64xf32, #tpu.memory_space<vmem>> -> memref<1x128x64xf32, #tpu.memory_space<vmem>>
        %dma_start3A_168 = tpu.memref_squeeze %dma_start3A_167 : memref<1x128x64xf32, #tpu.memory_space<vmem>> -> memref<128x64xf32, #tpu.memory_space<vmem>>
        %dma_start3A_169 = arith.constant 0 : i32
        %dma_start3A_170 = tpu.memref_slice %arg11[%add3A_148, %dma_start3A_169] : memref<80x128xi32, #tpu.memory_space<vmem>> -> memref<1x128xi32, #tpu.memory_space<vmem>>
        %dma_start3A_171 = tpu.memref_squeeze %dma_start3A_170 : memref<1x128xi32, #tpu.memory_space<vmem>> -> memref<128xi32, #tpu.memory_space<vmem>>
        %dma_start3A_172 = arith.constant 0 : i32
        %dma_start3A_173 = arith.constant 0 : i32
        %dma_start3A_174 = tpu.memref_slice %arg15[%dma_start3A_172, %dma_start3A_173] : memref<10240x64xf32, #tpu.memory_space<vmem_shared>> -> memref<10240x64xf32, #tpu.memory_space<vmem_shared>>
        %dma_start3A_175 = tpu.memref_slice %arg18[%dma_start3A_164] : memref<2x!tpu.dma_semaphore, #tpu.memory_space<semaphore_mem>> -> memref<1x!tpu.dma_semaphore, #tpu.memory_space<semaphore_mem>>
        %dma_start3A_176 = tpu.memref_squeeze %dma_start3A_175 : memref<1x!tpu.dma_semaphore, #tpu.memory_space<semaphore_mem>> -> memref<!tpu.dma_semaphore, #tpu.memory_space<semaphore_mem>>
        tpu.enqueue_indirect_dma source(%dma_start3A_168 : memref<128x64xf32, #tpu.memory_space<vmem>>) target(%dma_start3A_174 : memref<10240x64xf32, #tpu.memory_space<vmem_shared>>) offsets(%dma_start3A_171 : memref<128xi32, #tpu.memory_space<vmem>>) semaphore(%dma_start3A_176 : memref<!tpu.dma_semaphore, #tpu.memory_space<semaphore_mem>>) {add = true}
        %eq3A_177 = arith.constant 1 : i32
        %eq3A_178 = arith.cmpi eq, %arg0, %eq3A_177 : i32
        %convert_element_type3A_179 = arith.extui %eq3A_178 : i1 to i32
        %cond3A_180 = arith.constant 0 : i32
        %cond3A_181 = arith.cmpi ne, %convert_element_type3A_179, %cond3A_180 : i32
        scf.if %cond3A_181 {
          %dma_start3A_182 = arith.constant 0 : i32
          %dma_start3A_183 = tpu.memref_slice %arg11[%add3A_148, %dma_start3A_182] : memref<80x128xi32, #tpu.memory_space<vmem>> -> memref<1x128xi32, #tpu.memory_space<vmem>>
          %dma_start3A_184 = tpu.memref_squeeze %dma_start3A_183 : memref<1x128xi32, #tpu.memory_space<vmem>> -> memref<128xi32, #tpu.memory_space<vmem>>
          %dma_start3A_185 = arith.constant 0 : i32
          %dma_start3A_186 = arith.constant 0 : i32
          %dma_start3A_187 = tpu.memref_slice %arg16[%dma_start3A_185, %dma_start3A_186] : memref<10240x16xf32, #tpu.memory_space<vmem_shared>> -> memref<10240x16xf32, #tpu.memory_space<vmem_shared>>
          tpu.enqueue_indirect_dma source(%arg13 : memref<128x16xf32, #tpu.memory_space<vmem>>) target(%dma_start3A_187 : memref<10240x16xf32, #tpu.memory_space<vmem_shared>>) offsets(%dma_start3A_184 : memref<128xi32, #tpu.memory_space<vmem>>) semaphore(%arg19 : memref<!tpu.dma_semaphore, #tpu.memory_space<semaphore_mem>>) {add = true}
        } else {
        }
      }
      %scan3A_31 = arith.constant 40 : i32
      %dma_wait3A = arith.constant 0 : i32
      %dma_wait3A_32 = arith.constant 0 : i32
      %dma_wait3A_33 = arith.constant 0 : i32
      %dma_wait3A_34 = arith.constant 0 : i32
      %dma_wait3A_35 = arith.constant 0 : i32
      %dma_wait3A_36 = tpu.memref_slice %arg12[%dma_wait3A, %dma_wait3A_34, %dma_wait3A_35] : memref<2x128x64xf32, #tpu.memory_space<vmem>> -> memref<1x128x64xf32, #tpu.memory_space<vmem>>
      %dma_wait3A_37 = tpu.memref_squeeze %dma_wait3A_36 : memref<1x128x64xf32, #tpu.memory_space<vmem>> -> memref<128x64xf32, #tpu.memory_space<vmem>>
      %dma_wait3A_38 = arith.constant 0 : i32
      %dma_wait3A_39 = tpu.memref_slice %arg11[%dma_wait3A_32, %dma_wait3A_38] : memref<80x128xi32, #tpu.memory_space<vmem>> -> memref<1x128xi32, #tpu.memory_space<vmem>>
      %dma_wait3A_40 = tpu.memref_squeeze %dma_wait3A_39 : memref<1x128xi32, #tpu.memory_space<vmem>> -> memref<128xi32, #tpu.memory_space<vmem>>
      %dma_wait3A_41 = arith.constant 0 : i32
      %dma_wait3A_42 = arith.constant 0 : i32
      %dma_wait3A_43 = tpu.memref_slice %arg15[%dma_wait3A_41, %dma_wait3A_42] : memref<10240x64xf32, #tpu.memory_space<vmem_shared>> -> memref<10240x64xf32, #tpu.memory_space<vmem_shared>>
      %dma_wait3A_44 = tpu.memref_slice %arg18[%dma_wait3A_33] : memref<2x!tpu.dma_semaphore, #tpu.memory_space<semaphore_mem>> -> memref<1x!tpu.dma_semaphore, #tpu.memory_space<semaphore_mem>>
      %dma_wait3A_45 = tpu.memref_squeeze %dma_wait3A_44 : memref<1x!tpu.dma_semaphore, #tpu.memory_space<semaphore_mem>> -> memref<!tpu.dma_semaphore, #tpu.memory_space<semaphore_mem>>
      tpu.wait_indirect_dma semaphore(%dma_wait3A_45 : memref<!tpu.dma_semaphore, #tpu.memory_space<semaphore_mem>>) src(%dma_wait3A_37 : memref<128x64xf32, #tpu.memory_space<vmem>>) dst(%dma_wait3A_43 : memref<10240x64xf32, #tpu.memory_space<vmem_shared>>)
      %dma_wait3A_46 = arith.constant 1 : i32
      %dma_wait3A_47 = arith.constant 1 : i32
      %dma_wait3A_48 = arith.constant 1 : i32
      %dma_wait3A_49 = arith.constant 0 : i32
      %dma_wait3A_50 = arith.constant 0 : i32
      %dma_wait3A_51 = tpu.memref_slice %arg12[%dma_wait3A_46, %dma_wait3A_49, %dma_wait3A_50] : memref<2x128x64xf32, #tpu.memory_space<vmem>> -> memref<1x128x64xf32, #tpu.memory_space<vmem>>
      %dma_wait3A_52 = tpu.memref_squeeze %dma_wait3A_51 : memref<1x128x64xf32, #tpu.memory_space<vmem>> -> memref<128x64xf32, #tpu.memory_space<vmem>>
      %dma_wait3A_53 = arith.constant 0 : i32
      %dma_wait3A_54 = tpu.memref_slice %arg11[%dma_wait3A_47, %dma_wait3A_53] : memref<80x128xi32, #tpu.memory_space<vmem>> -> memref<1x128xi32, #tpu.memory_space<vmem>>
      %dma_wait3A_55 = tpu.memref_squeeze %dma_wait3A_54 : memref<1x128xi32, #tpu.memory_space<vmem>> -> memref<128xi32, #tpu.memory_space<vmem>>
      %dma_wait3A_56 = arith.constant 0 : i32
      %dma_wait3A_57 = arith.constant 0 : i32
      %dma_wait3A_58 = tpu.memref_slice %arg15[%dma_wait3A_56, %dma_wait3A_57] : memref<10240x64xf32, #tpu.memory_space<vmem_shared>> -> memref<10240x64xf32, #tpu.memory_space<vmem_shared>>
      %dma_wait3A_59 = tpu.memref_slice %arg18[%dma_wait3A_48] : memref<2x!tpu.dma_semaphore, #tpu.memory_space<semaphore_mem>> -> memref<1x!tpu.dma_semaphore, #tpu.memory_space<semaphore_mem>>
      %dma_wait3A_60 = tpu.memref_squeeze %dma_wait3A_59 : memref<1x!tpu.dma_semaphore, #tpu.memory_space<semaphore_mem>> -> memref<!tpu.dma_semaphore, #tpu.memory_space<semaphore_mem>>
      tpu.wait_indirect_dma semaphore(%dma_wait3A_60 : memref<!tpu.dma_semaphore, #tpu.memory_space<semaphore_mem>>) src(%dma_wait3A_52 : memref<128x64xf32, #tpu.memory_space<vmem>>) dst(%dma_wait3A_58 : memref<10240x64xf32, #tpu.memory_space<vmem_shared>>)
      %scan3A_61 = arith.constant 0 : i32
      %scan3A_62 = arith.constant 40 : i32
      %scan3A_63 = arith.addi %scan3A_61, %scan3A_62 : i32
      %scan3A_64 = arith.constant 1 : i32
      scf.for %scan3A_66 = %scan3A_61 to %scan3A_63 step %scan3A_64  : i32 {
        %dma_wait3A_67 = arith.constant 0 : i32
        %dma_wait3A_68 = arith.constant 0 : i32
        %dma_wait3A_69 = tpu.memref_slice %arg11[%dma_wait3A_67, %dma_wait3A_68] : memref<80x128xi32, #tpu.memory_space<vmem>> -> memref<1x128xi32, #tpu.memory_space<vmem>>
        %dma_wait3A_70 = tpu.memref_squeeze %dma_wait3A_69 : memref<1x128xi32, #tpu.memory_space<vmem>> -> memref<128xi32, #tpu.memory_space<vmem>>
        %dma_wait3A_71 = arith.constant 0 : i32
        %dma_wait3A_72 = arith.constant 0 : i32
        %dma_wait3A_73 = tpu.memref_slice %arg16[%dma_wait3A_71, %dma_wait3A_72] : memref<10240x16xf32, #tpu.memory_space<vmem_shared>> -> memref<10240x16xf32, #tpu.memory_space<vmem_shared>>
        tpu.wait_indirect_dma semaphore(%arg19 : memref<!tpu.dma_semaphore, #tpu.memory_space<semaphore_mem>>) src(%arg13 : memref<128x16xf32, #tpu.memory_space<vmem>>) dst(%dma_wait3A_73 : memref<10240x16xf32, #tpu.memory_space<vmem_shared>>)
      }
      %scan3A_65 = arith.constant 40 : i32
    }
    %scan3A_12 = arith.constant 2 : i32
    %barrier3A_13 = arith.constant 0 : index
    tpu.barrier barrier_id(%barrier3A_13)
    %mul3A_14 = arith.constant 640 : i32
    %mul3A_15 = arith.muli %arg1, %mul3A_14 : i32
    %mul3A_16 = arith.constant 640 : i32
    %mul3A_17 = arith.muli %arg1, %mul3A_16 : i32
    "tpu.region"() ({
      %run_scoped3A = tpu.sem_alloc : memref<!tpu.dma_semaphore, #tpu.memory_space<semaphore_mem>>
      %dma_start3A = arith.constant 0 : i32
      %dma_start3A_22 = tpu.memref_slice %arg8[%arg0, %mul3A_17, %dma_start3A] : memref<2x10240x64xf32, #tpu.memory_space<hbm>> -> memref<1x640x64xf32, #tpu.memory_space<hbm>>
      %dma_start3A_23 = tpu.memref_squeeze %dma_start3A_22 : memref<1x640x64xf32, #tpu.memory_space<hbm>> -> memref<640x64xf32, #tpu.memory_space<hbm>>
      %dma_start3A_24 = arith.constant 0 : i32
      %dma_start3A_25 = tpu.memref_slice %arg15[%mul3A_15, %dma_start3A_24] : memref<10240x64xf32, #tpu.memory_space<vmem_shared>> -> memref<640x64xf32, #tpu.memory_space<vmem_shared>>
      tpu.enqueue_dma source(%dma_start3A_25 : memref<640x64xf32, #tpu.memory_space<vmem_shared>>) target(%dma_start3A_23 : memref<640x64xf32, #tpu.memory_space<hbm>>) target_semaphore(%run_scoped3A : memref<!tpu.dma_semaphore, #tpu.memory_space<semaphore_mem>>)
      %dma_wait3A = arith.constant 0 : i32
      %dma_wait3A_26 = tpu.memref_slice %arg8[%arg0, %mul3A_17, %dma_wait3A] : memref<2x10240x64xf32, #tpu.memory_space<hbm>> -> memref<1x640x64xf32, #tpu.memory_space<hbm>>
      %dma_wait3A_27 = tpu.memref_squeeze %dma_wait3A_26 : memref<1x640x64xf32, #tpu.memory_space<hbm>> -> memref<640x64xf32, #tpu.memory_space<hbm>>
      %dma_wait3A_28 = arith.constant 0 : i32
      %dma_wait3A_29 = tpu.memref_slice %arg15[%mul3A_15, %dma_wait3A_28] : memref<10240x64xf32, #tpu.memory_space<vmem_shared>> -> memref<640x64xf32, #tpu.memory_space<vmem_shared>>
      tpu.wait_dma2 semaphore(%run_scoped3A : memref<!tpu.dma_semaphore, #tpu.memory_space<semaphore_mem>>) src(%dma_wait3A_29 : memref<640x64xf32, #tpu.memory_space<vmem_shared>>) dst(%dma_wait3A_27 : memref<640x64xf32, #tpu.memory_space<hbm>>)
      tpu.yield
    }) : () -> ()
    %mul3A_18 = arith.constant 640 : i32
    %mul3A_19 = arith.muli %arg1, %mul3A_18 : i32
    %mul3A_20 = arith.constant 640 : i32
    %mul3A_21 = arith.muli %arg1, %mul3A_20 : i32
    "tpu.region"() ({
      %run_scoped3A = tpu.sem_alloc : memref<!tpu.dma_semaphore, #tpu.memory_space<semaphore_mem>>
      %dma_start3A = arith.constant 0 : i32
      %dma_start3A_22 = tpu.memref_slice %arg9[%arg0, %mul3A_21, %dma_start3A] : memref<2x10240x16xf32, #tpu.memory_space<hbm>> -> memref<1x640x16xf32, #tpu.memory_space<hbm>>
      %dma_start3A_23 = tpu.memref_squeeze %dma_start3A_22 : memref<1x640x16xf32, #tpu.memory_space<hbm>> -> memref<640x16xf32, #tpu.memory_space<hbm>>
      %dma_start3A_24 = arith.constant 0 : i32
      %dma_start3A_25 = tpu.memref_slice %arg16[%mul3A_19, %dma_start3A_24] : memref<10240x16xf32, #tpu.memory_space<vmem_shared>> -> memref<640x16xf32, #tpu.memory_space<vmem_shared>>
      tpu.enqueue_dma source(%dma_start3A_25 : memref<640x16xf32, #tpu.memory_space<vmem_shared>>) target(%dma_start3A_23 : memref<640x16xf32, #tpu.memory_space<hbm>>) target_semaphore(%run_scoped3A : memref<!tpu.dma_semaphore, #tpu.memory_space<semaphore_mem>>)
      %dma_wait3A = arith.constant 0 : i32
      %dma_wait3A_26 = tpu.memref_slice %arg9[%arg0, %mul3A_21, %dma_wait3A] : memref<2x10240x16xf32, #tpu.memory_space<hbm>> -> memref<1x640x16xf32, #tpu.memory_space<hbm>>
      %dma_wait3A_27 = tpu.memref_squeeze %dma_wait3A_26 : memref<1x640x16xf32, #tpu.memory_space<hbm>> -> memref<640x16xf32, #tpu.memory_space<hbm>>
      %dma_wait3A_28 = arith.constant 0 : i32
      %dma_wait3A_29 = tpu.memref_slice %arg16[%mul3A_19, %dma_wait3A_28] : memref<10240x16xf32, #tpu.memory_space<vmem_shared>> -> memref<640x16xf32, #tpu.memory_space<vmem_shared>>
      tpu.wait_dma2 semaphore(%run_scoped3A : memref<!tpu.dma_semaphore, #tpu.memory_space<semaphore_mem>>) src(%dma_wait3A_29 : memref<640x16xf32, #tpu.memory_space<vmem_shared>>) dst(%dma_wait3A_27 : memref<640x16xf32, #tpu.memory_space<hbm>>)
      tpu.yield
    }) : () -> ()
    return
  }
}

module attributes {stable_mosaic.version = 14 : i64} {
  func.func @_tc_body(%arg0: i32, %arg1: memref<2x200x64xf32, #tpu.memory_space<vmem>>, %arg2: memref<2x200x16xf32, #tpu.memory_space<vmem>>, %arg3: memref<200x128xf32, #tpu.memory_space<vmem>>, %arg4: memref<128x128xf32, #tpu.memory_space<vmem>>, %arg5: memref<1x128xf32, #tpu.memory_space<vmem>>, %arg6: memref<128x128xf32, #tpu.memory_space<vmem>>, %arg7: memref<200x128xf32, #tpu.memory_space<vmem>>) attributes {dimension_semantics = [#tpu.dimension_semantics<arbitrary>], iteration_bounds = array<i64: 50>, scalar_prefetch = 0 : i64, scratch_operands = 0 : i64, tpu.core_type = #tpu.core_type<tc>, window_params = [{transform_indices = @transform_0, window_bounds = array<i64: 2, 200, 64>}, {transform_indices = @transform_1, window_bounds = array<i64: 2, 200, 16>}, {transform_indices = @transform_2, window_bounds = array<i64: 200, 128>}, {pipeline_mode = #tpu.pipeline_mode<synchronous>, transform_indices = @transform_3, window_bounds = array<i64: 128, 128>}, {pipeline_mode = #tpu.pipeline_mode<synchronous>, transform_indices = @transform_4, window_bounds = array<i64: 1, 128>}, {pipeline_mode = #tpu.pipeline_mode<synchronous>, transform_indices = @transform_5, window_bounds = array<i64: 128, 128>}, {transform_indices = @transform_6, window_bounds = array<i64: 200, 128>}]} {
    %get3A = arith.constant 0 : index
    %get3A_0 = arith.constant 0 : index
    %get3A_1 = arith.constant 0 : index
    %get3A_2 = vector.load %arg1[%get3A, %get3A_0, %get3A_1] : memref<2x200x64xf32, #tpu.memory_space<vmem>>, vector<1x200x64xf32>
    %get3A_3 = vector.shape_cast %get3A_2 : vector<1x200x64xf32> to vector<200x64xf32>
    %get3A_4 = arith.constant 1 : index
    %get3A_5 = arith.constant 0 : index
    %get3A_6 = arith.constant 0 : index
    %get3A_7 = vector.load %arg1[%get3A_4, %get3A_5, %get3A_6] : memref<2x200x64xf32, #tpu.memory_space<vmem>>, vector<1x200x64xf32>
    %get3A_8 = vector.shape_cast %get3A_7 : vector<1x200x64xf32> to vector<200x64xf32>
    %concatenate3A = tpu.concatenate %get3A_3, %get3A_8 in 1 : vector<200x64xf32>, vector<200x64xf32> -> vector<200x128xf32>
    %get3A_9 = arith.constant 0 : index
    %get3A_10 = arith.constant 0 : index
    %get3A_11 = arith.constant 0 : index
    %get3A_12 = vector.load %arg2[%get3A_9, %get3A_10, %get3A_11] : memref<2x200x16xf32, #tpu.memory_space<vmem>>, vector<1x200x1xf32>
    %get3A_13 = vector.shape_cast %get3A_12 : vector<1x200x1xf32> to vector<200xf32>
    %get3A_14 = arith.constant 1 : index
    %get3A_15 = arith.constant 0 : index
    %get3A_16 = arith.constant 0 : index
    %get3A_17 = vector.load %arg2[%get3A_14, %get3A_15, %get3A_16] : memref<2x200x16xf32, #tpu.memory_space<vmem>>, vector<1x200x1xf32>
    %get3A_18 = vector.shape_cast %get3A_17 : vector<1x200x1xf32> to vector<200xf32>
    %add3A = arith.addf %get3A_13, %get3A_18 : vector<200xf32>
    %max3A = arith.constant 1.000000e+00 : f32
    %max3A_19 = vector.broadcast %max3A : f32 to vector<200xf32>
    %max3A_20 = arith.maximumf %add3A, %max3A_19 : vector<200xf32>
    %broadcast_in_dim3A = vector.shape_cast %max3A_20 : vector<200xf32> to vector<200x1xf32>
    %div3A = vector.broadcast %broadcast_in_dim3A : vector<200x1xf32> to vector<200x128xf32>
    %div3A_21 = arith.divf %concatenate3A, %div3A : vector<200x128xf32>
    %get3A_22 = arith.constant 0 : index
    %get3A_23 = arith.constant 0 : index
    %get3A_24 = vector.load %arg4[%get3A_22, %get3A_23] : memref<128x128xf32, #tpu.memory_space<vmem>>, vector<128x128xf32>
    %dot_general3A = arith.constant dense<0.000000e+00> : vector<200x128xf32>
    %dot_general3A_25 = tpu.matmul %div3A_21, %get3A_24, %dot_general3A {dimension_numbers = #tpu.dot_dimension_numbers<[1], [1], [0], [0], [0, 0, 1, 0], [], []>, transpose_lhs_hint = false} : vector<200x128xf32>, vector<128x128xf32>, vector<200x128xf32> -> vector<200x128xf32>
    %get3A_26 = arith.constant 0 : index
    %get3A_27 = arith.constant 0 : index
    %get3A_28 = vector.load %arg5[%get3A_26, %get3A_27] : memref<1x128xf32, #tpu.memory_space<vmem>>, vector<1x128xf32>
    %add3A_29 = vector.broadcast %get3A_28 : vector<1x128xf32> to vector<200x128xf32>
    %add3A_30 = arith.addf %dot_general3A_25, %add3A_29 : vector<200x128xf32>
    %get3A_31 = arith.constant 0 : index
    %get3A_32 = arith.constant 0 : index
    %get3A_33 = vector.load %arg3[%get3A_31, %get3A_32] : memref<200x128xf32, #tpu.memory_space<vmem>>, vector<200x128xf32>
    %get3A_34 = arith.constant 0 : index
    %get3A_35 = arith.constant 0 : index
    %get3A_36 = vector.load %arg6[%get3A_34, %get3A_35] : memref<128x128xf32, #tpu.memory_space<vmem>>, vector<128x128xf32>
    %dot_general3A_37 = arith.constant dense<0.000000e+00> : vector<200x128xf32>
    %dot_general3A_38 = tpu.matmul %get3A_33, %get3A_36, %dot_general3A_37 {dimension_numbers = #tpu.dot_dimension_numbers<[1], [1], [0], [0], [0, 0, 1, 0], [], []>, transpose_lhs_hint = false} : vector<200x128xf32>, vector<128x128xf32>, vector<200x128xf32> -> vector<200x128xf32>
    %add3A_39 = arith.addf %add3A_30, %dot_general3A_38 : vector<200x128xf32>
    %mul3A = arith.mulf %add3A_39, %add3A_39 : vector<200x128xf32>
    %reduce_sum3A = arith.constant dense<0.000000e+00> : vector<200xf32>
    %reduce_sum3A_40 = vector.multi_reduction <add>, %mul3A, %reduce_sum3A [1] : vector<200x128xf32> to vector<200xf32>
    %broadcast_in_dim3A_41 = vector.shape_cast %reduce_sum3A_40 : vector<200xf32> to vector<200x1xf32>
    %sqrt3A = math.sqrt %broadcast_in_dim3A_41 : vector<200x1xf32>
    %max3A_42 = arith.constant 9.99999996E-13 : f32
    %max3A_43 = vector.broadcast %max3A_42 : f32 to vector<200x1xf32>
    %max3A_44 = arith.maximumf %sqrt3A, %max3A_43 : vector<200x1xf32>
    %div3A_45 = vector.broadcast %max3A_44 : vector<200x1xf32> to vector<200x128xf32>
    %div3A_46 = arith.divf %add3A_39, %div3A_45 : vector<200x128xf32>
    %max3A_47 = arith.constant 0.000000e+00 : f32
    %max3A_48 = vector.broadcast %max3A_47 : f32 to vector<200x128xf32>
    %max3A_49 = arith.maximumf %div3A_46, %max3A_48 : vector<200x128xf32>
    %swap3A = arith.constant 0 : index
    %swap3A_50 = arith.constant 0 : index
    %swap3A_51 = vector.load %arg7[%swap3A, %swap3A_50] : memref<200x128xf32, #tpu.memory_space<vmem>>, vector<200x128xf32>
    tpu.vector_store %arg7[%swap3A, %swap3A_50], %max3A_49 {strides = array<i32>} : memref<200x128xf32, #tpu.memory_space<vmem>>, vector<200x128xf32>,
    return
  }
  func.func @transform_0(%arg0: i32) -> (i32, i32, i32) {
    %c0_i32 = arith.constant 0 : i32
    %c0_i32_0 = arith.constant 0 : i32
    %c0_i32_1 = arith.constant 0 : i32
    return %c0_i32, %arg0, %c0_i32_0 : i32, i32, i32
  }
  func.func @transform_1(%arg0: i32) -> (i32, i32, i32) {
    %c0_i32 = arith.constant 0 : i32
    %c0_i32_0 = arith.constant 0 : i32
    %c0_i32_1 = arith.constant 0 : i32
    return %c0_i32, %arg0, %c0_i32_0 : i32, i32, i32
  }
  func.func @transform_2(%arg0: i32) -> (i32, i32) {
    %c0_i32 = arith.constant 0 : i32
    %c0_i32_0 = arith.constant 0 : i32
    return %arg0, %c0_i32 : i32, i32
  }
  func.func @transform_3(%arg0: i32) -> (i32, i32) {
    %c0_i32 = arith.constant 0 : i32
    %c0_i32_0 = arith.constant 0 : i32
    %c0_i32_1 = arith.constant 0 : i32
    return %c0_i32, %c0_i32_0 : i32, i32
  }
  func.func @transform_4(%arg0: i32) -> (i32, i32) {
    %c0_i32 = arith.constant 0 : i32
    %c0_i32_0 = arith.constant 0 : i32
    %c0_i32_1 = arith.constant 0 : i32
    return %c0_i32, %c0_i32_0 : i32, i32
  }
  func.func @transform_5(%arg0: i32) -> (i32, i32) {
    %c0_i32 = arith.constant 0 : i32
    %c0_i32_0 = arith.constant 0 : i32
    %c0_i32_1 = arith.constant 0 : i32
    return %c0_i32, %c0_i32_0 : i32, i32
  }
  func.func @transform_6(%arg0: i32) -> (i32, i32) {
    %c0_i32 = arith.constant 0 : i32
    %c0_i32_0 = arith.constant 0 : i32
    return %arg0, %c0_i32 : i32, i32
  }
}

</mosaic_0001>

<sc_bundles>
// kernel: kernel.4.cloned.1.call-start
scs
__scs_entry_jumppad:
0x0: {  	(pc) =	sbr.rel $0x88, $3  }
0x1: {  	(tag) =	ssettag $0x0;
	lr =	simm.s32 $0x1  }
0x2: {  	[smem:$0x3F9C] =	sst lr;
	_ =	strace $0xD0000000  }
0x3: {  	_ = 	snop  }
0x4: {  	_ = 	snop  }
0x5: {  	_ = 	snop  }
0x6: {  	_ = 	snop  }
0x7: {  	_ = 	snop  }
__scs_overlays_trampoline_lowered:
0x8: {  	[smem:$0x3FAB] =	sst s0  }
0x9: {  	[smem:$0x3FAC] =	sst s1  }
0xa: {  	[smem:$0x3FAD] =	sst s2  }
0xb: {  	[smem:$0x3FAE] =	sst s3  }
0xc: {  	[smem:$0x3FAF] =	sst s4  }
0xd: {  	[smem:$0x3FB0] =	sst s5  }
0xe: {  	[smem:$0x3FB1] =	sst s6  }
0xf: {  	[smem:$0x3FB2] =	sst s7  }
0x10: {  	[smem:$0x3FB3] =	sst s8  }
0x11: {  	[smem:$0x3FB4] =	sst s9;
	s0 =	simm.s32 @!p0 $0x0  }
0x12: {  	s1 =	sld [smem:$0x3F9A];
	s0 =	simm.s32 @p0 $0x1  }
0x13: {  	[smem:$0x3FB5] =	sst s0;
	s0 =	simm.s32 @!p1 $0x0  }
0x14: {  	s2 =	sld [smem:$0x3F99];
	s0 =	simm.s32 @p1 $0x1  }
0x15: {  	[smem:$0x3FB6] =	sst s0;
	s0 =	simm.s32 @!p2 $0x0  }
0x16: {  	s3 =	sld [smem:$0x3FDB];
	s0 =	simm.s32 @p2 $0x1  }
0x17: {  	s4 =	simm.s32 $0x1BF5;
	[smem:$0x3FB8] =	sst s0  }
0x18: {  	s0 =	sld [smem:$0x3F9B];
	_ =	swait.ge [sflag:s4], $0x0  }
0x19: {  	s7 =	sld [smem:$0x3F9C]  }
0x1a: {  	s8 =	sadd.s32 $0xFFFFE003, lr  }
0x1b: {  	s9 =	sadd.s32 $0xFFFFFEF7, lr;
	s5 =	simm.s32 $0xFFFFFFFF;
	p2 =	slt.u32 s8, $0xFFFFF086  }
0x1c: {  	p1 =	slt.u32 s9, $0xF7A;
	s5 =	simm.s32 @!p2 $0x0  }
0x1d: {  	s5 =	simm.s32 @p1 $0x1;
	p0 =	seq.s32 s7, s2  }
0x1e: {  	s7 =	smul.u32 @!p0 $0xF7A, s2;
	p2 =	seq.s32 @!p0 s5, $0x0  }
0x1f: {  	s9 =	smul.u32 $0xF7A, s1;
	s8 =	simm.s32 @!p0 $0x1BF5;
	p2 =	por !p2, p0  }
0x20: {  	[sflag:s8] =	ssyncset.s32 @!p0 $0xFFFFF086;
	s6 =	sadd.s32 @!p0 s3, s7;
	s7 =	simm.s32 @!p0 $0x108  }
0x21: {  	s3 =	sadd.s32 s3, s9;
	s6 =	sadd.s32 @!p0 $0x88, s6;
	s7 =	simm.s32 @p2 $0x1082  }
0x22: {  	[simem:s7], [sflag:s8] =	dma.local @!p0 [hbm:s6], $0xF7A  }
0x23: {  	s9 =	sor.u32 $0xD0000000, s2;
	s6 =	simm.s32 $0x108;
	_ =	swait.ge @!p0 [sflag:s8], $0x0  }
0x24: {  	s3 =	sadd.s32 $0x88, s3;
	s6 =	simm.s32 @!p1 $0x1082;
	[sflag:s4] =	ssyncset.s32 $0xFFFFF086  }
0x25: {  	[simem:s6], [sflag:s4] =	dma.local [hbm:s3], $0xF7A  }
0x26: {  	[smem:$0x3F9C] =	sst s1;
	(tag) =	ssettag s2;
	_ =	strace s9  }
0x27: {  	s1 =	sld [smem:$0x3FAC]  }
0x28: {  	s2 =	sld [smem:$0x3FAD]  }
0x29: {  	s4 =	sld [smem:$0x3FAF]  }
0x2a: {  	p0 =	seq.s32 s5, $0x0;
	s5 =	sld [smem:$0x3FB0]  }
0x2b: {  	s6 =	sld [smem:$0x3FB1]  }
0x2c: {  	s7 =	sld [smem:$0x3FB2]  }
0x2d: {  	s3 =	simm.s32 $0x108;
	s8 =	sld [smem:$0x3FB3]  }
0x2e: {  	s3 =	simm.s32 @!p0 $0x1082;
	s9 =	sld [smem:$0x3FB4]  }
0x2f: {  	lr =	sadd.s32 s0, s3;
	s0 =	sld [smem:$0x3FAB]  }
0x30: {  	s3 =	sld [smem:$0x3FAE]  }
0x31: {  	[smem:$0x3FB7] =	sst s10  }
0x32: {  	s10 =	sld [smem:$0x3FB5];
	_ =	sdelay $0x3  }
0x33: {  	p0 =	seq.s32 s10, $0x1;
	s10 =	sld [smem:$0x3FB7];
	_ =	sdelay $0x3  }
0x34: {  	[smem:$0x3FB7] =	sst s10  }
0x35: {  	s10 =	sld [smem:$0x3FB6];
	_ =	sdelay $0x3  }
0x36: {  	p1 =	seq.s32 s10, $0x1;
	s10 =	sld [smem:$0x3FB7];
	_ =	sdelay $0x3  }
0x37: {  	[smem:$0x3FB7] =	sst s10  }
0x38: {  	s10 =	sld [smem:$0x3FB8]  }
0x39: {  	_ = 	snop;
	(pc) =	sbr.ind lr, $3  }
0x3a: {  	_ = 	snop  }
0x3b: {  	_ = 	snop  }
0x3c: {  	p2 =	seq.s32 s10, $0x1;
	s10 =	sld [smem:$0x3FB7]  }
0x3d: {  	_ =	shalt  }
0x3e: {  	_ =	shalt  }
0x3f: {  	_ =	shalt  }
0x40: {  	_ =	shalt  }
0x41: {  	_ =	shalt  }
0x42: {  	_ =	shalt  }
0x43: {  	_ =	shalt  }
0x44: {  	_ =	shalt  }
0x45: {  	_ =	shalt  }
0x46: {  	_ =	shalt  }
0x47: {  	_ =	shalt  }
0x48: {  	_ =	shalt  }
0x49: {  	_ =	shalt  }
0x4a: {  	_ =	shalt  }
0x4b: {  	_ =	shalt  }
0x4c: {  	_ =	shalt  }
0x4d: {  	_ =	shalt  }
0x4e: {  	_ =	shalt  }
0x4f: {  	_ =	shalt  }
0x50: {  	_ =	shalt  }
0x51: {  	_ =	shalt  }
0x52: {  	_ =	shalt  }
0x53: {  	_ =	shalt  }
0x54: {  	_ =	shalt  }
0x55: {  	_ =	shalt  }
0x56: {  	_ =	shalt  }
0x57: {  	_ =	shalt  }
0x58: {  	_ =	shalt  }
0x59: {  	_ =	shalt  }
0x5a: {  	_ =	shalt  }
0x5b: {  	_ =	shalt  }
0x5c: {  	_ =	shalt  }
0x5d: {  	_ =	shalt  }
0x5e: {  	_ =	shalt  }
0x5f: {  	_ =	shalt  }
0x60: {  	_ =	shalt  }
0x61: {  	_ =	shalt  }
0x62: {  	_ =	shalt  }
0x63: {  	_ =	shalt  }
0x64: {  	_ =	shalt  }
0x65: {  	_ =	shalt  }
0x66: {  	_ =	shalt  }
0x67: {  	_ =	shalt  }
0x68: {  	_ =	shalt  }
0x69: {  	_ =	shalt  }
0x6a: {  	_ =	shalt  }
0x6b: {  	_ =	shalt  }
0x6c: {  	_ =	shalt  }
0x6d: {  	_ =	shalt  }
0x6e: {  	_ =	shalt  }
0x6f: {  	_ =	shalt  }
0x70: {  	_ =	shalt  }
0x71: {  	_ =	shalt  }
0x72: {  	_ =	shalt  }
0x73: {  	_ =	shalt  }
0x74: {  	_ =	shalt  }
0x75: {  	_ =	shalt  }
0x76: {  	_ =	shalt  }
0x77: {  	_ =	shalt  }
0x78: {  	_ =	shalt  }
0x79: {  	_ =	shalt  }
0x7a: {  	_ =	shalt  }
0x7b: {  	_ =	shalt  }
0x7c: {  	_ =	shalt  }
0x7d: {  	_ =	shalt  }
0x7e: {  	_ =	shalt  }
0x7f: {  	_ =	shalt  }
0x80: {  	_ =	shalt  }
0x81: {  	_ =	shalt  }
0x82: {  	_ =	shalt  }
0x83: {  	_ =	shalt  }
0x84: {  	_ =	shalt  }
0x85: {  	_ =	shalt  }
0x86: {  	_ =	shalt  }
0x87: {  	_ =	shalt  }
.Lfunc_end0:
.L_simem_size_0:
called_computation_lowered:
.L_overlay_start_0:
0x88: {  	s2 =	sld [smem:$0x3FD9]  }
0x89: {  	s3 =	sld [smem:$0x3FFE];
	_ =	sdelay $0x1  }
0x8a: {  	s1 =	srdreg.scid  }
0x8b: {  	s0 =	sand.u32 $0x1, s1  }
0x8c: {  	s17 =	sshll.u32 s0, $0xA;
	s2 =	sadd.s32 s3, s2  }
0x8d: {  	s2 =	sadd.s32 s2, s17  }
0x8e: {  	[smem:$0x3FC3] =	sst s2  }
0x8f: {  	_ = 	snop  }
0x90: {  	s2 =	sld [smem:$0x3FC9]  }
0x91: {  	s18 =	sld [smem:$0x3FD0];
	(tm) =	ssettm $0x1  }
0x92: {  	s4 =	sld [smem:$0x3FFB];
	_ =	sdelay $0x3  }
0x93: {  	_ =	strace s4  }
0x94: {  	s4 =	sld [smem:$0x3FFC];
	_ =	sdelay $0x3  }
0x95: {  	_ =	strace s4  }
0x96: {  	s4 =	sld [smem:$0x3FFD];
	_ =	sdelay $0x3  }
0x97: {  	_ =	strace s4  }
0x98: {  	_ =	strace $0x8FFFFFFF  }
0x99: {  	s19 =	sld [smem:$0x3FDB];
	_ =	sdelay $0x1  }
0x9a: {  	s5 =	simm.s32 $_scs_section_size  }
0x9b: {  	s6 =	simm.s32 $_size__tile_overlayer_lowered;
	s7 =	simm.s32 $_tile_overlayer_lowered  }
0x9c: {  	s22 =	simm.s32 $0x1BFF;
	s21 =	sshll.u32 s7, $0x1;
	s4 =	sadd.s32 s5, s19  }
0x9d: {  	s8 =	simm.s32 $0x0;
	s20 =	sshll.u32 s6, $0x1;
	s6 =	sadd.s32 s21, s4  }
0x9e: {  	[timem:s8], [sflag:s22] =	dma.local [hbm:s6], s20  }
0x9f: {  	_ =	swait.ge [sflag:s22], s20  }
0xa0: {  	s5 =	ssub.s32 $0x0, s20;
	[sflag:s22] =	ssyncset.done $0x0  }
0xa1: {  	[sflag:s22] =	ssyncadd.s32 s5;
	_ =	sdelay $0x1  }
0xa2: {  	s23 =	simm.s32 $0x1B8B  }
0xa3: {  	_ =	swait.ge [sflag:s23], $0x1  }
0xa4: {  	[sflag:s23] =	ssyncset.done $0x0  }
0xa5: {  	s25 =	simm.s32 $0x1B8E;
	s24 =	sld [smem:$0x3FFE];
	[sflag:s23] =	ssyncadd.s32 $0xFFFFFFFF  }
0xa6: {  	s26 =	simm.s32 $execute0_lowered;
	[smem:$0x3FD2] =	sst s25  }
0xa7: {  	s6 =	sshll.u32 s26, $0x1;
	_ =	strace $0x80000046;
	[dreg:$0x1] =	wrdreg $0xFFFFFFFF  }
0xa8: {  	s28 =	simm.s32 $_size_execute0_lowered;
	s4 =	sadd.s32 s4, s6;
	[dreg:$0x0] =	wrdreg $0x0  }
0xa9: {  	s6 =	sshll.u32 s28, $0x1;
	[dreg:$0x2] =	wrdreg s4  }
0xaa: {  	[dreg:$0x3] =	wrdreg s6  }
0xab: {  	[dreg:$0x4] =	wrdreg $0xC0  }
0xac: {  	_ =	task [dreg:s8], $0x5FFFF  }
0xad: {  	[dreg:$0x1] =	wrdreg $0xFFFFFFFF  }
0xae: {  	[dreg:$0x0] =	wrdreg $0x60  }
0xaf: {  	[dreg:$0x2] =	wrdreg s2  }
0xb0: {  	[dreg:$0x3] =	wrdreg s18  }
0xb1: {  	[dreg:$0x4] =	wrdreg s24  }
0xb2: {  	[dreg:$0x5] =	wrdreg $0x98000  }
0xb3: {  	[dreg:$0x6] =	wrdreg $0x138000  }
0xb4: {  	[dreg:$0x7] =	wrdreg $0x1D8000  }
0xb5: {  	[dreg:$0x8] =	wrdreg $0x9  }
0xb6: {  	_ =	task.clear_ibuf [dreg:s8], $0x9FFFF;
	_ =	strace $0x90000046  }
0xb7: {  	s29 =	simm.s32 $0x9;
	_ =	strace $0x80000048  }
0xb8: {  	_ =	swait.ge [sflag:s29], $0x1  }
0xb9: {  	[sflag:s29] =	ssyncadd.s32 $0xFFFFFFFF  }
0xba: {  	_ =	strace $0x90000048  }
0xbb: {  	_ =	sfence  }
0xbc: {  	s30 =	sld [smem:$0x0];
	_ =	sdelay $0x2  }
0xbd: {  	s31 =	sshll.u32 s1, $0xD;
	s1 =	sshrl.u32 s1, $0x2  }
0xbe: {  	s3 =	sand.u32 $0x4000, s31;
	s1 =	sadd.s32 s1, s30  }
0xbf: {  	s0 =	sor.u32 s3, s0;
	s1 =	sshll.u32 s1, $0x11  }
0xc0: {  	s0 =	sor.u32 s1, s0  }
0xc1: {  	s0 =	sadd.s32 $0x8F2B, s0  }
0xc2: {  	[sflag:s0] =	ssyncadd.remote.s32 $0x1  }
0xc3: {  	_ =	sfence.sel $0xFFFF  }
0xc4: {  	[dreg:$0x0] =	wrdreg $0xFFFFFFFF;
	(pc) =	sbr.abs _section_cstart, $3  }
0xc5: {  	[dreg:$0x1] =	wrdreg $0xFFFFFFFF  }
0xc6: {  	_ =	task.clear_ibuf [dreg:s8], $0x2FFFF;
	_ =	strace $0x9FFFFFFF  }
0xc7: {  	(tm) =	ssettm $0x7FFFFFFF  }
tec
execute0_lowered:
.L_overlay_start_1:
0x0: {  	(tag) =	ssettag $0x1  }
0x1: {  	s0 =	rddreg [dreg:$0x0]  }
0x2: {  	s1 =	rddreg [dreg:$0x1]  }
0x3: {  	s3 =	rddreg [dreg:$0x2]  }
0x4: {  	s2 =	rddreg [dreg:$0x3]  }
0x5: {  	s4 =	rddreg [dreg:$0x4]  }
0x6: {  	s5 =	rddreg [dreg:$0x5]  }
0x7: {  	s7 =	srdreg.scid;
	s19 =	stileid.u32;
	s6 =	simm.s32 $0x0  }
0x8: {  	s28 =	simm.s32 $0x5000;
	s29 =	simm.s32 $0x7000;
	s30 =	simm.s32 $0x3  }
0x9: {  	s31 =	simm.s32 $0x4;
	s8 =	sand.u32 $0x1, s7;
	s9 =	smul.u32 $0xA000, s19  }
0xa: {  	[smem:$0x7FF] =	sst s6;
	s7 =	sadd.s32 $0x1000, s3;
	s11 =	smul.u32 $0x2800, s19  }
0xb: {  	s12 =	sadd.s32 $0xB800, s3;
	s13 =	sadd.s32 $0xB200, s3;
	s20 =	smul.u32 $0x13880, s19  }
0xc: {  	s15 =	smul.u32 $0x27100, s19;
	_ =	strace $0x80000047;
	[dreg:$0x7] =	wrdreg s12  }
0xd: {  	s18 =	sadd.s32 $0xB000, s3;
	s10 =	smul.u32 $0xA0000, s8;
	[dreg:$0x8] =	wrdreg s13  }
0xe: {  	s24 =	sshll.u32 s19, $0x6;
	s17 =	smul.u32 $0x28000, s8;
	[dreg:$0x9] =	wrdreg s18  }
0xf: {  	s14 =	ssub.s32 $0x2, s8;
	s16 =	sshll.u32 s8, $0x6;
	s13 =	smul.u32 $0xA0, s19  }
0x10: {  	p0 =	sne.s32 s8, $0x0;
	p1 =	seq.s32 s8, $0x0;
	s19 =	simm.s32 $0x0  }
0x11: {  	s21 =	sshrl.u32 s14, $0x1;
	s22 =	sor.u32 s16, s20;
	s23 =	sshrl.u32 s15, $0x2  }
0x12: {  	s25 =	sadd.s32 s9, s4;
	s26 =	sadd.s32 s11, s5;
	s10 =	sadd.s32 s9, s10  }
0x13: {  	s12 =	sadd.s32 s11, s17;
	s17 =	ssub.s32 s14, s21;
	s18 =	sadd.s32 s23, s2  }
0x14: {  	s21 =	simm.s32 $0x6;
	s23 =	sshrl.u32 s26, $0x3;
	s26 =	simm.s32 $0x80  }
0x15: {  	s10 =	sshrl.u32 s10, $0x3;
	s12 =	sshrl.u32 s12, $0x3;
	s16 =	smax.u32 s17, $0x1  }
0x16: {  	s17 =	sshrl.u32 s18, $0x3;
	s18 =	simm.s32 $0x1;
	s10 =	sadd.s32 s10, s3  }
0x17: {  	s3 =	sadd.s32 s12, s3;
	s12 =	sshrl.u32 s22, $0x3;
	s22 =	sshrl.u32 s25, $0x3  }
0x18: {  	s25 =	simm.s32 $0x2800;
	s0 =	sadd.s32 s0, s12;
	s12 =	sor.u32 $0x1C06, s24  }
0x19: {  	s10 =	sadd.s32 $0xCC00, s10;
	s15 =	sadd.s32 $0x34C00, s3;
	[dreg:$0xa] =	wrdreg s0  }
0x1a: {  	s3 =	simm.s32 $0x5;
	[dreg:$0xb] =	wrdreg s10;
	s0 =	simm.s32 $0x2  }
.LBB2_1:
0x1b: {  	s8 =	rddreg [dreg:$0xa];
	s9 =	simm.s32 $0x8;
	s10 =	simm.s32 $0x10  }
0x1c: {  	[spmem:s17@s9], [sflag:s12] =	dma.strided [hbm:s8@s10], $0x1388, s18, $0x8   }
0x1d: {  	_ =	swait.ge [sflag:s21], $0x1388  }
0x1e: {  	[sflag:s21] =	ssyncset.done $0x0  }
0x1f: {  	s11 =	rddreg [dreg:$0x7];
	[sflag:s21] =	ssyncadd.s32 $0xFFFFEC78  }
0x20: {  	[spmem:s22], [sflag:s12] =	dma.local [hbm:s11], $0x1400  }
0x21: {  	_ =	swait.ge [sflag:s21], $0x1400  }
0x22: {  	[sflag:s21] =	ssyncset.done $0x0  }
0x23: {  	s14 =	rddreg [dreg:$0x8];
	[sflag:s21] =	ssyncadd.s32 $0xFFFFEC00  }
0x24: {  	[spmem:s23], [sflag:s12] =	dma.local [hbm:s14], $0x500  }
0x25: {  	_ =	swait.ge [sflag:s21], $0x500  }
0x26: {  	[sflag:s21] =	ssyncset.done $0x0  }
0x27: {  	s24 =	simm.s32 $0x9000;
	s20 =	rddreg [dreg:$0x9];
	[sflag:s21] =	ssyncadd.s32 $0xFFFFFB00  }
0x28: {  	[tilespmem:s24], [sflag:$0x6] =	stream.linear.gather [hbm4b:s20+s6], $0x800, $0x38;
	v63 =	vld [tilespmem:$0x0]  }
0x29: {  	_ =	swait.ge [sflag:s21], $0x800  }
0x2a: {  	[sflag:s21] =	ssyncset.done $0x0  }
0x2b: {  	[sflag:s21] =	ssyncadd.s32 $0xFFFFF800  }
0x2c: {  	p3 =	por $0x1, $0x1;
	s8 =	simm.s32 $0x0;
	[bflag:$0x0] =	sbarrier.arrive $0xFFFF  }
.LBB2_2:
0x2d: {  	s8 =	sadd.s32 s13, s8  }
0x2e: {  	s8 =	sshll.u32 s8, $0x4  }
0x2f: {  	s9 =	sadd.s32 s1, s8  }
0x30: {  	[tilespmem:s6], [sflag:$0x6] =	stream.linear.gather [hbm4b:s9+s6], $0x2800, $0x38;
	v63 =	vld [tilespmem:$0x0]  }
0x31: {  	_ =	swait.ge [sflag:s21], $0x2800  }
0x32: {  	[sflag:s21] =	ssyncset.done $0x0  }
0x33: {  	s8 =	sadd.s32 s7, s8;
	[sflag:s21] =	ssyncadd.s32 $0xFFFFD800  }
0x34: {  	[tilespmem:s25], [sflag:$0x6] =	stream.linear.gather [hbm4b:s8+s6], $0x2800, $0x38;
	v63 =	vld [tilespmem:$0x0]  }
0x35: {  	_ =	swait.ge [sflag:s21], $0x2800  }
0x36: {  	[sflag:s21] =	ssyncset.done $0x0  }
0x37: {  	[sflag:s21] =	ssyncadd.s32 $0xFFFFD800  }
0x38: {  	[tilespmem:s28], [sflag:$0x1] =	stream.indirect.gather [spmem:s2], $0x40, s6, s26, $0xb8;
	v63 =	vld [tilespmem:$0x0]  }
0x39: {  	_ = 	snop  }
0x3a: {  	[tilespmem:s29], [sflag:$0x2] =	stream.indirect.gather [spmem:s2], $0x40, s26, s26, $0xb8;
	v63 =	vld [tilespmem:$0x0]  }
0x3b: {  	_ =	swait.ge [sflag:s18], $0x2000  }
0x3c: {  	[sflag:s18] =	ssyncset.done $0x0  }
0x3d: {  	s8 =	simm.s32 @p0 $0x2;
	[sflag:s18] =	ssyncadd.s32 $0xFFFFE000  }
0x3e: {  	[spmem:s4] =	stream.indirect.scatter.add.f32 [tilespmem:s28], [sflag:$0x3], $0x40, s25, s26, $0xb8;
	v63 =	vld [tilespmem:$0x0]  }
0x3f: {  	_ =	swait.ge @p0 [sflag:s8], $0x2000  }
0x40: {  	s10 =	simm.s32 @p0 $0x7000;
	[sflag:s8] =	ssyncset.done @p0 $0x0  }
0x41: {  	s9 =	simm.s32 @p0 $0x2880;
	[sflag:s8] =	ssyncadd.s32 @p0 $0xFFFFE000;
	s8 =	simm.s32 @p0 $0x80  }
0x42: {  	[spmem:s4] =	stream.indirect.scatter.add.f32 @p0 [tilespmem:s10], [sflag:$0x4], $0x40, s9, s8, $0xb8;
	v63 =	vld [tilespmem:$0x0]  }
0x43: {  	s10 =	simm.s32 @p0 $0x9000  }
0x44: {  	[spmem:s5] =	stream.indirect.scatter.add.f32 @p0 [tilespmem:s10], [sflag:$0x5], $0x10, s9, s8, $0xb8;
	v63 =	vld [tilespmem:$0x0]  }
0x45: {  	s20 =	simm.s32 @!p0 $0x80;
	s24 =	simm.s32 @!p0 $0x9000;
	s8 =	simm.s32 @!p0 $0x2800  }
0x46: {  	[spmem:s5] =	stream.indirect.scatter.add.f32 @!p0 [tilespmem:s24], [sflag:$0x5], $0x10, s8, s20, $0xb8;
	v63 =	vld [tilespmem:$0x0]  }
0x47: {  	s8 =	simm.s32 @!p0 $0x2  }
0x48: {  	_ =	swait.ge @!p0 [sflag:s8], $0x2000  }
0x49: {  	[sflag:s8] =	ssyncset.done @!p0 $0x0  }
0x4a: {  	s9 =	simm.s32 @!p0 $0x7000;
	[sflag:s8] =	ssyncadd.s32 @!p0 $0xFFFFE000;
	s8 =	simm.s32 @!p0 $0x2880  }
0x4b: {  	[spmem:s4] =	stream.indirect.scatter.add.f32 @!p0 [tilespmem:s9], [sflag:$0x4], $0x40, s8, s20, $0xb8;
	v63 =	vld [tilespmem:$0x0]  }
0x4c: {  	_ =	swait.ge [sflag:s30], $0x2000  }
0x4d: {  	[sflag:s30] =	ssyncset.done $0x0  }
0x4e: {  	s11 =	simm.s32 $0x100;
	[sflag:s30] =	ssyncadd.s32 $0xFFFFE000  }
0x4f: {  	[tilespmem:s28], [sflag:$0x1] =	stream.indirect.gather [spmem:s2], $0x40, s11, s26, $0xb8;
	v63 =	vld [tilespmem:$0x0]  }
0x50: {  	_ =	swait.ge [sflag:s31], $0x2000  }
0x51: {  	[sflag:s31] =	ssyncset.done $0x0  }
0x52: {  	s14 =	simm.s32 $0x180;
	[sflag:s31] =	ssyncadd.s32 $0xFFFFE000  }
0x53: {  	[tilespmem:s29], [sflag:$0x2] =	stream.indirect.gather [spmem:s2], $0x40, s14, s26, $0xb8;
	v63 =	vld [tilespmem:$0x0]  }
0x54: {  	_ =	swait.ge [sflag:s18], $0x2000  }
0x55: {  	[sflag:s18] =	ssyncset.done $0x0  }
0x56: {  	s8 =	simm.s32 $0x2900;
	[sflag:s18] =	ssyncadd.s32 $0xFFFFE000  }
0x57: {  	[spmem:s4] =	stream.indirect.scatter.add.f32 [tilespmem:s28], [sflag:$0x3], $0x40, s8, s26, $0xb8;
	v63 =	vld [tilespmem:$0x0]  }
0x58: {  	_ = 	snop  }
0x59: {  	[spmem:s5] =	stream.indirect.scatter.add.f32 @!p0 [tilespmem:s24], [sflag:$0x5], $0x10, s8, s20, $0xb8;
	v63 =	vld [tilespmem:$0x0]  }
0x5a: {  	p2 =	por p3, p3;
	_ =	swait.ge [sflag:s0], $0x2000  }
0x5b: {  	s10 =	simm.s32 @!p1 $0x9000;
	s9 =	simm.s32 $0xFFFF6800;
	[sflag:s0] =	ssyncset.done $0x0  }
0x5c: {  	s11 =	simm.s32 $0x2980;
	s8 =	simm.s32 @!p1 $0x80;
	[sflag:s0] =	ssyncadd.s32 $0xFFFFE000  }
0x5d: {  	[spmem:s4] =	stream.indirect.scatter.add.f32 [tilespmem:s29], [sflag:$0x4], $0x40, s11, s26, $0xb8;
	v63 =	vld [tilespmem:$0x0]  }
.LBB2_3:
0x5e: {  	[spmem:s5] =	stream.indirect.scatter.add.f32 @!p1 [tilespmem:s10], [sflag:$0x5], $0x10, s11, s8, $0xb8;
	v63 =	vld [tilespmem:$0x0]  }
0x5f: {  	s11 =	smov.u32 s9;
	s9 =	sadd.s32 $0x400, s9;
	_ =	swait.ge [sflag:s30], $0x2000  }
0x60: {  	s11 =	sshra.s32 s11, $0x2;
	p3 =	sne.s32 s9, $0x0;
	[sflag:s30] =	ssyncset.done $0x0  }
0x61: {  	s14 =	sadd.s32 $0x2800, s11;
	[sflag:s30] =	ssyncadd.s32 $0xFFFFE000  }
0x62: {  	[tilespmem:s28], [sflag:$0x1] =	stream.indirect.gather [spmem:s2], $0x40, s14, s26, $0xb8;
	v63 =	vld [tilespmem:$0x0]  }
0x63: {  	_ =	swait.ge [sflag:s31], $0x2000  }
0x64: {  	[sflag:s31] =	ssyncset.done $0x0  }
0x65: {  	s14 =	sadd.s32 $0x2880, s11;
	[sflag:s31] =	ssyncadd.s32 $0xFFFFE000  }
0x66: {  	[tilespmem:s29], [sflag:$0x2] =	stream.indirect.gather [spmem:s2], $0x40, s14, s26, $0xb8;
	v63 =	vld [tilespmem:$0x0]  }
0x67: {  	_ =	swait.ge [sflag:s18], $0x2000  }
0x68: {  	[sflag:s18] =	ssyncset.done $0x0  }
0x69: {  	s14 =	sadd.s32 $0x5000, s11;
	[sflag:s18] =	ssyncadd.s32 $0xFFFFE000  }
0x6a: {  	[spmem:s4] =	stream.indirect.scatter.add.f32 [tilespmem:s28], [sflag:$0x3], $0x40, s14, s26, $0xb8;
	v63 =	vld [tilespmem:$0x0]  }
0x6b: {  	_ = 	snop  }
0x6c: {  	[spmem:s5] =	stream.indirect.scatter.add.f32 @!p0 [tilespmem:s24], [sflag:$0x5], $0x10, s14, s20, $0xb8;
	v63 =	vld [tilespmem:$0x0]  }
.Ltmp0:
0x6d: {  	_ =	swait.ge [sflag:s0], $0x2000;
	(pc) =	sbr.rel @p3 .LBB2_3-.Ltmp0, $4  }
0x6e: {  	[sflag:s0] =	ssyncset.done $0x0  }
0x6f: {  	s11 =	sadd.s32 $0x5080, s11;
	[sflag:s0] =	ssyncadd.s32 $0xFFFFE000  }
0x70: {  	[spmem:s4] =	stream.indirect.scatter.add.f32 [tilespmem:s29], [sflag:$0x4], $0x40, s11, s26, $0xb8;
	v63 =	vld [tilespmem:$0x0]  }
0x71: {  	_ = 	snop  }
0x72: {  	[spmem:s5] =	stream.indirect.scatter.add.f32 @!p1 [tilespmem:s10], [sflag:$0x5], $0x10, s11, s8, $0xb8;
	v63 =	vld [tilespmem:$0x0]  }
0x73: {  	_ =	swait.ge [sflag:s30], $0x2000  }
0x74: {  	[sflag:s30] =	ssyncset.done $0x0  }
0x75: {  	[sflag:s30] =	ssyncadd.s32 $0xFFFFE000  }
0x76: {  	_ =	swait.ge [sflag:s31], $0x2000  }
0x77: {  	[sflag:s31] =	ssyncset.done $0x0  }
0x78: {  	[sflag:s31] =	ssyncadd.s32 $0xFFFFE000  }
0x79: {  	_ =	swait.ge [sflag:s3], $0x800  }
0x7a: {  	s8 =	simm.s32 $0x27;
	[sflag:s3] =	ssyncset.done $0x0  }
.LBB2_5:
0x7b: {  	p3 =	sne.s32 s8, $0x1;
	s8 =	sadd.s32 $0xFFFFFFFF, s8;
	[sflag:s3] =	ssyncadd.s32 $0xFFFFF800  }
.Ltmp1:
0x7c: {  	(pc) =	sbr.rel @p3 .LBB2_5-.Ltmp1, $3  }
0x7d: {  	_ =	sdelay $0x1  }
0x7e: {  	_ =	swait.ge [sflag:s3], $0x800  }
0x7f: {  	[sflag:s3] =	ssyncset.done $0x0  }
.Ltmp2:
0x80: {  	(pc) =	sbr.rel @p2 .LBB2_2-.Ltmp2, $2  }
0x81: {  	_ =	sdelay $0x2  }
0x82: {  	[sflag:s3] =	ssyncadd.s32 $0xFFFFF800;
	s8 =	simm.s32 $0x50;
	p3 =	por $0x0, $0x0  }
0x83: {  	[bflag:$0x0] =	sbarrier.arrive $0xFFFF  }
0x84: {  	s8 =	rddreg [dreg:$0xb]  }
0x85: {  	[hbm:s8], [sflag:s12] =	dma.local [spmem:s22], $0x1400  }
0x86: {  	s19 =	sadd.s32 $0x1, s19;
	_ =	swait.ge [sflag:s21], $0x1400  }
0x87: {  	p2 =	sne.s32 s19, s16;
	[sflag:s21] =	ssyncset.done $0x0  }
.Ltmp3:
0x88: {  	[sflag:s21] =	ssyncadd.s32 $0xFFFFEC00;
	(pc) =	sbr.rel @p2 .LBB2_1-.Ltmp3, $4  }
0x89: {  	[hbm:s15], [sflag:s12] =	dma.local [spmem:s23], $0x500  }
0x8a: {  	_ =	swait.ge [sflag:s21], $0x500  }
0x8b: {  	[sflag:s21] =	ssyncset.done $0x0  }
0x8c: {  	[sflag:s21] =	ssyncadd.s32 $0xFFFFFB00  }
0x8d: {  	_ =	sfence.sel $0x180000  }
0x8e: {  	[bflag:$0x0] =	sbarrier.arrive $0xFFFF  }
0x8f: {  	_ =	strace $0x90000047  }
0x90: {  	s0 =	stileid.u32;
	[bflag:$0x2] =	sbarrier.arrive $0xFFFF  }
0x91: {  	p0 =	sne.s32 s0, $0x0;
	s0 =	rddreg [dreg:$0x6]  }
0x92: {  	s0 =	sadd.s32 @!p0 $0x100000, s0  }
0x93: {  	[sflag:s0] =	ssyncadd.tile.s32 @!p0 $0x1;
	_ =	shalt  }
.Lfunc_end2:
_tile_overlayer_lowered:
.L_overlay_start_2:
0x94: {  	(tag) =	ssettag $0x2  }
0x95: {  	s0 =	rddreg [dreg:$0x0];
	s2 =	stileid.u32  }
0x96: {  	s1 =	rddreg [dreg:$0x1];
	p0 =	sne.s32 s2, $0x0  }
0x97: {  	s3 =	rddreg [dreg:$0x2];
	[bflag:$0x3] =	sbarrier.arrive $0xFFFF;
	s2 =	simm.s32 @!p0 $0x1C06  }
0x98: {  	[timem:s3], [sflag:s2] =	dma.local @!p0 [hbm:s0], s1  }
0x99: {  	s0 =	simm.s32 @!p0 $0x6  }
0x9a: {  	_ =	swait.ge @!p0 [sflag:s0], s1  }
0x9b: {  	s1 =	ssub.s32 @!p0 $0x0, s1;
	[sflag:s0] =	ssyncset.done @!p0 $0x0  }
0x9c: {  	[sflag:s0] =	ssyncadd.s32 @!p0 s1  }
0x9d: {  	[bflag:$0x3] =	sbarrier.arrive $0xFFFF  }
0x9e: {  	_ =	shalt  }

</sc_bundles>
